<compile_context>
chip_gen: v7x
topology: tpu7x:2x2x1
jax: 0.10.2.dev20260603
libtpu: 0.0.44.dev20260713+nightly
codegen_flags: <defaults>
</compile_context>

<pallas_src>
import functools

import jax
import jax.numpy as jnp
from jax import lax
from jax.experimental import pallas as pl
from jax.experimental.pallas import tpu as pltpu
from jax.experimental.pallas import tpu_sc as plsc

_N_KEYS = 100000
_BITS = 512
_LANES = 16
_NVEC = _BITS // _LANES

_TC_BLK = 2000
_N_SC = 56000
_N_TC = _N_KEYS - _N_SC

_CHUNK = 80
_CROWS = _CHUNK // _LANES
_CBUF = _CHUNK * _BITS
_NCHUNKS = _N_SC // _CHUNK
_NW = 32
_ITERS = 2 * (-(-_NCHUNKS // (2 * _NW)))

_GATHER_DNUMS = lax.GatherDimensionNumbers(
    offset_dims=(), collapsed_slice_dims=(0,), start_index_map=(0,))


def _lane_permute(v, idx):
    return lax.gather(
        v, idx[:, None], dimension_numbers=_GATHER_DNUMS, slice_sizes=(1,),
        mode=lax.GatherScatterMode.PROMISE_IN_BOUNDS)


def _merge_tree(vecs, perms, masks):
    for k in range(4):
        nxt = []
        for t in range(len(vecs) // 2):
            a, b = vecs[2 * t], vecs[2 * t + 1]
            fa = a + _lane_permute(a, perms[k])
            fb = b + _lane_permute(b, perms[k])
            nxt.append(jnp.where(masks[k], fa, fb))
        vecs = nxt
    return vecs[0]


def _make_sc_kernel():
    mesh = plsc.VectorSubcoreMesh(core_axis_name="c", subcore_axis_name="s")

    @functools.partial(
        pl.kernel,
        mesh=mesh,
        out_type=jax.ShapeDtypeStruct((_N_SC,), jnp.float32),
        scratch_types=[
            pltpu.VMEM((_BITS,), jnp.float32),
            pltpu.VMEM((_BITS,), jnp.float32),
            pltpu.VMEM((_CHUNK, _BITS), jnp.float32),
            pltpu.VMEM((_CHUNK, _BITS), jnp.float32),
            pltpu.VMEM((_CHUNK,), jnp.float32),
            pltpu.VMEM((_CHUNK,), jnp.float32),
            pltpu.SemaphoreType.DMA,
            pltpu.SemaphoreType.DMA,
            pltpu.SemaphoreType.DMA,
            pltpu.SemaphoreType.DMA,
        ],
    )
    def sc_kernel(q_hbm, keys_hbm, out_hbm,
                  q_v, s_v, k0, k1, o0, o1, sk0, sk1, so0, so1):
        cid = lax.axis_index("c")
        sid = lax.axis_index("s")
        wid = sid * 2 + cid

        pltpu.sync_copy(q_hbm, q_v)

        lane_iota = lax.iota(jnp.int32, _LANES)
        perms = [lane_iota ^ (1 << k) for k in range(4)]
        masks = [(lane_iota & (1 << k)) == 0 for k in range(4)]

        n1_acc = jnp.zeros((_LANES,), jnp.float32)
        for i in range(_NVEC):
            qc = q_v[pl.ds(i * _LANES, _LANES)]
            s_v[pl.ds(i * _LANES, _LANES)] = 1.0 - 2.0 * qc
            n1_acc = n1_acc + qc
        n1 = n1_acc
        for k in range(4):
            n1 = n1 + _lane_permute(n1, perms[k])
        thresh = 1.0 - n1

        def cidx_of(jj):
            return jnp.minimum(wid + jj * _NW, _NCHUNKS - 1)

        bufs = ((k0, o0, sk0, so0), (k1, o1, sk1, so1))

        pltpu.async_copy(
            keys_hbm.at[pl.ds(cidx_of(0) * _CHUNK, _CHUNK), :], k0, sk0)
        pltpu.async_copy(
            keys_hbm.at[pl.ds(cidx_of(1) * _CHUNK, _CHUNK), :], k1, sk1)

        def iter_body(t, carry):
            j2 = t * 2
            for b in range(2):
                kb, ob, skb, sob = bufs[b]
                jj = j2 + b
                cidx = cidx_of(jj)
                pltpu.make_async_copy(
                    keys_hbm.at[pl.ds(cidx * _CHUNK, _CHUNK), :], kb,
                    skb).wait()

                @pl.when(jj >= 2)
                def _():
                    pltpu.make_async_copy(
                        ob, out_hbm.at[pl.ds(cidx_of(jj - 2) * _CHUNK, _CHUNK)],
                        sob).wait()

                def group_body(g, gc):
                    grow = g * _LANES

                    def ci_body(ci, accs):
                        cb = ci * _LANES
                        ss = s_v[pl.ds(cb, _LANES)]
                        return tuple(
                            accs[r] + kb[grow + r, pl.ds(cb, _LANES)] * ss
                            for r in range(_LANES))

                    accs = lax.fori_loop(
                        0, _NVEC, ci_body,
                        tuple(jnp.zeros((_LANES,), jnp.float32)
                              for _ in range(_LANES)),
                        unroll=2)
                    d = _merge_tree(list(accs), perms, masks)
                    res = jnp.where(d <= thresh, 1.0, 0.0).astype(jnp.float32)
                    ob[pl.ds(g * _LANES, _LANES)] = res
                    return gc

                lax.fori_loop(0, _CROWS, group_body, 0)

                pltpu.async_copy(
                    ob, out_hbm.at[pl.ds(cidx * _CHUNK, _CHUNK)], sob)

                @pl.when(jj + 2 < _ITERS)
                def _():
                    pltpu.async_copy(
                        keys_hbm.at[pl.ds(cidx_of(jj + 2) * _CHUNK, _CHUNK), :],
                        kb, skb)

            return carry

        lax.fori_loop(0, _ITERS // 2, iter_body, 0)

        for b in range(2):
            kb, ob, skb, sob = bufs[b]
            pltpu.make_async_copy(
                ob,
                out_hbm.at[pl.ds(cidx_of(_ITERS - 2 + b) * _CHUNK, _CHUNK)],
                sob).wait()

    return sc_kernel


_sc_kernel = _make_sc_kernel()

_TC_OFF = _N_SC // _TC_BLK
_TC_GRID = _N_TC // _TC_BLK


def _tc_body(q_ref, k_ref, o_ref):
    q = q_ref[0, :]
    s = 1.0 - 2.0 * q
    n1 = jnp.sum(q)
    k = k_ref[0]
    dist = n1 + jnp.sum(k * s[None, :], axis=1)
    o_ref[0, 0, :] = jnp.where(dist <= 1.0, 1.0, 0.0).astype(jnp.float32)


def _tc_part(q2, k3):
    return pl.pallas_call(
        _tc_body,
        grid=(_TC_GRID,),
        in_specs=[
            pl.BlockSpec((1, _BITS), lambda i: (0, 0)),
            pl.BlockSpec((1, _TC_BLK, _BITS), lambda i: (i + _TC_OFF, 0, 0)),
        ],
        out_specs=pl.BlockSpec((1, 1, _TC_BLK), lambda i: (i, 0, 0)),
        out_shape=jax.ShapeDtypeStruct((_TC_GRID, 1, _TC_BLK), jnp.float32),
    )(q2, k3)


def kernel(query, keys):
    q = query.reshape(_BITS).astype(jnp.float32)
    out_sc = _sc_kernel(q, keys)
    out_tc = _tc_part(q.reshape(1, _BITS),
                      keys.reshape(_N_KEYS // _TC_BLK, _TC_BLK, _BITS))
    return jnp.concatenate([out_sc, out_tc.reshape(_N_TC)])

# --- scband reference (transcript-rebuilt; emitter-appended) ---
"""Pipeline reference for scband-similarity-attention-30202210025964 (READ-ONLY COPY).

The authoritative reference and input builder live on the scoring server;
editing this copy changes nothing except your own understanding.
"""

import jax, jax.numpy as jnp
import numpy as np

INPUT_BITS = 512
N_KEYS = 100000
THRESHOLD = 1


def setup_inputs(seed: int = 0) -> dict:
    key = jax.random.key(seed)
    k1, k2 = jax.random.split(key)
    # binary codes stored as float32 {0.0, 1.0}
    query = jax.random.randint(k1, (INPUT_BITS,), 0, 2).astype(jnp.float32)
    keys = jax.random.randint(k2, (N_KEYS, INPUT_BITS), 0, 2).astype(jnp.float32)
    return {"query": query, "keys": keys}


def reference(query, keys):
    # Faithful vectorization of SimilarityAttention.get_attention:
    # for each key: hamming_distance = (query != key).sum();
    # weight = 1.0 if dist <= threshold else 0.0.
    # For binary {0,1} values, (a != b).sum() == sum(|a - b|).
    q = jnp.squeeze(query)
    dist = jnp.sum(jnp.abs(q[None, :] - keys), axis=-1)
    weights = jnp.where(dist <= THRESHOLD, 1.0, 0.0).astype(jnp.float32)
    return weights

if __name__ == "__main__":
    import jax
    _d = setup_inputs()
    print(jax.jit(kernel)(*tuple(_d.values())))

</pallas_src>

<mosaic_0001>
#map = affine_map<(d0, d1) -> (0)>
#map1 = affine_map<(d0, d1) -> (0, 0)>
module attributes {stable_mosaic.version = 14 : i64} {
  func.func @sc_kernel(%arg0: i32, %arg1: i32, %arg2: memref<512xf32, #tpu.memory_space<hbm>>, %arg3: memref<100000x512xf32, #tpu.memory_space<hbm>>, %arg4: memref<56000xf32, #tpu.memory_space<hbm>>, %arg5: memref<512xf32, #tpu.memory_space<vmem>>, %arg6: memref<512xf32, #tpu.memory_space<vmem>>, %arg7: memref<80x512xf32, #tpu.memory_space<vmem>>, %arg8: memref<80x512xf32, #tpu.memory_space<vmem>>, %arg9: memref<80xf32, #tpu.memory_space<vmem>>, %arg10: memref<80xf32, #tpu.memory_space<vmem>>, %arg11: memref<!tpu.dma_semaphore, #tpu.memory_space<semaphore_mem>>, %arg12: memref<!tpu.dma_semaphore, #tpu.memory_space<semaphore_mem>>, %arg13: memref<!tpu.dma_semaphore, #tpu.memory_space<semaphore_mem>>, %arg14: memref<!tpu.dma_semaphore, #tpu.memory_space<semaphore_mem>>) attributes {dimension_semantics = [#tpu.dimension_semantics<core_parallel>, #tpu.dimension_semantics<subcore_parallel>], iteration_bounds = array<i64: 2, 16>, scalar_prefetch = 0 : i64, scratch_operands = 10 : i64, tpu.core_type = #tpu.core_type<sc_vector_subcore>, window_params = [{transform_indices = #map}, {transform_indices = #map1}, {transform_indices = #map}]} {
    %mul3A = arith.constant 2 : i32
    %mul3A_0 = arith.muli %arg1, %mul3A : i32
    %add3A = arith.addi %mul3A_0, %arg0 : i32
    "tpu.region"() ({
      %run_scoped3A = tpu.sem_alloc : memref<!tpu.dma_semaphore, #tpu.memory_space<semaphore_mem>>
      tpu.enqueue_dma source(%arg2 : memref<512xf32, #tpu.memory_space<hbm>>) target(%arg5 : memref<512xf32, #tpu.memory_space<vmem>>) target_semaphore(%run_scoped3A : memref<!tpu.dma_semaphore, #tpu.memory_space<semaphore_mem>>)
      tpu.wait_dma2 semaphore(%run_scoped3A : memref<!tpu.dma_semaphore, #tpu.memory_space<semaphore_mem>>) src(%arg2 : memref<512xf32, #tpu.memory_space<hbm>>) dst(%arg5 : memref<512xf32, #tpu.memory_space<vmem>>)
      tpu.yield
    }) : () -> ()
    %iota3A = tpu.iota {dimensions = array<i32: 0>} : vector<16xi32>
    %xor3A = arith.constant 1 : i32
    %xor3A_1 = vector.broadcast %xor3A : i32 to vector<16xi32>
    %xor3A_2 = arith.xori %iota3A, %xor3A_1 : vector<16xi32>
    %xor3A_3 = arith.constant 2 : i32
    %xor3A_4 = vector.broadcast %xor3A_3 : i32 to vector<16xi32>
    %xor3A_5 = arith.xori %iota3A, %xor3A_4 : vector<16xi32>
    %xor3A_6 = arith.constant 4 : i32
    %xor3A_7 = vector.broadcast %xor3A_6 : i32 to vector<16xi32>
    %xor3A_8 = arith.xori %iota3A, %xor3A_7 : vector<16xi32>
    %xor3A_9 = arith.constant 8 : i32
    %xor3A_10 = vector.broadcast %xor3A_9 : i32 to vector<16xi32>
    %xor3A_11 = arith.xori %iota3A, %xor3A_10 : vector<16xi32>
    %and3A = arith.constant 1 : i32
    %and3A_12 = vector.broadcast %and3A : i32 to vector<16xi32>
    %and3A_13 = arith.andi %iota3A, %and3A_12 : vector<16xi32>
    %eq3A = arith.constant 0 : i32
    %eq3A_14 = vector.broadcast %eq3A : i32 to vector<16xi32>
    %eq3A_15 = arith.cmpi eq, %and3A_13, %eq3A_14 : vector<16xi32>
    %and3A_16 = arith.constant 2 : i32
    %and3A_17 = vector.broadcast %and3A_16 : i32 to vector<16xi32>
    %and3A_18 = arith.andi %iota3A, %and3A_17 : vector<16xi32>
    %eq3A_19 = arith.constant 0 : i32
    %eq3A_20 = vector.broadcast %eq3A_19 : i32 to vector<16xi32>
    %eq3A_21 = arith.cmpi eq, %and3A_18, %eq3A_20 : vector<16xi32>
    %and3A_22 = arith.constant 4 : i32
    %and3A_23 = vector.broadcast %and3A_22 : i32 to vector<16xi32>
    %and3A_24 = arith.andi %iota3A, %and3A_23 : vector<16xi32>
    %eq3A_25 = arith.constant 0 : i32
    %eq3A_26 = vector.broadcast %eq3A_25 : i32 to vector<16xi32>
    %eq3A_27 = arith.cmpi eq, %and3A_24, %eq3A_26 : vector<16xi32>
    %and3A_28 = arith.constant 8 : i32
    %and3A_29 = vector.broadcast %and3A_28 : i32 to vector<16xi32>
    %and3A_30 = arith.andi %iota3A, %and3A_29 : vector<16xi32>
    %eq3A_31 = arith.constant 0 : i32
    %eq3A_32 = vector.broadcast %eq3A_31 : i32 to vector<16xi32>
    %eq3A_33 = arith.cmpi eq, %and3A_30, %eq3A_32 : vector<16xi32>
    %broadcast_in_dim3A = arith.constant 0.000000e+00 : f32
    %broadcast_in_dim3A_34 = vector.broadcast %broadcast_in_dim3A : f32 to vector<16xf32>
    %get3A = arith.constant 0 : index
    %get3A_35 = tpu.vector_load %arg5[%get3A] {strides = array<i32>} : memref<512xf32, #tpu.memory_space<vmem>>, vector<16xf32>,
    %get3A_36 = vector.shape_cast %get3A_35 : vector<16xf32> to vector<16xf32>
    %mul3A_37 = arith.constant 2.000000e+00 : f32
    %mul3A_38 = vector.broadcast %mul3A_37 : f32 to vector<16xf32>
    %mul3A_39 = arith.mulf %mul3A_38, %get3A_36 : vector<16xf32>
    %sub3A = arith.constant 1.000000e+00 : f32
    %sub3A_40 = vector.broadcast %sub3A : f32 to vector<16xf32>
    %sub3A_41 = arith.subf %sub3A_40, %mul3A_39 : vector<16xf32>
    %swap3A = arith.constant 0 : index
    %swap3A_42 = tpu.vector_load %arg6[%swap3A] {strides = array<i32>} : memref<512xf32, #tpu.memory_space<vmem>>, vector<16xf32>,
    %swap3A_43 = vector.shape_cast %swap3A_42 : vector<16xf32> to vector<16xf32>
    %swap3A_44 = vector.shape_cast %sub3A_41 : vector<16xf32> to vector<16xf32>
    tpu.vector_store %arg6[%swap3A], %swap3A_44 {strides = array<i32>} : memref<512xf32, #tpu.memory_space<vmem>>, vector<16xf32>,
    %add3A_45 = arith.addf %broadcast_in_dim3A_34, %get3A_36 : vector<16xf32>
    %get3A_46 = arith.constant 16 : index
    %get3A_47 = tpu.vector_load %arg5[%get3A_46] {strides = array<i32>} : memref<512xf32, #tpu.memory_space<vmem>>, vector<16xf32>,
    %get3A_48 = vector.shape_cast %get3A_47 : vector<16xf32> to vector<16xf32>
    %mul3A_49 = arith.constant 2.000000e+00 : f32
    %mul3A_50 = vector.broadcast %mul3A_49 : f32 to vector<16xf32>
    %mul3A_51 = arith.mulf %mul3A_50, %get3A_48 : vector<16xf32>
    %sub3A_52 = arith.constant 1.000000e+00 : f32
    %sub3A_53 = vector.broadcast %sub3A_52 : f32 to vector<16xf32>
    %sub3A_54 = arith.subf %sub3A_53, %mul3A_51 : vector<16xf32>
    %swap3A_55 = arith.constant 16 : index
    %swap3A_56 = tpu.vector_load %arg6[%swap3A_55] {strides = array<i32>} : memref<512xf32, #tpu.memory_space<vmem>>, vector<16xf32>,
    %swap3A_57 = vector.shape_cast %swap3A_56 : vector<16xf32> to vector<16xf32>
    %swap3A_58 = vector.shape_cast %sub3A_54 : vector<16xf32> to vector<16xf32>
    tpu.vector_store %arg6[%swap3A_55], %swap3A_58 {strides = array<i32>} : memref<512xf32, #tpu.memory_space<vmem>>, vector<16xf32>,
    %add3A_59 = arith.addf %add3A_45, %get3A_48 : vector<16xf32>
    %get3A_60 = arith.constant 32 : index
    %get3A_61 = tpu.vector_load %arg5[%get3A_60] {strides = array<i32>} : memref<512xf32, #tpu.memory_space<vmem>>, vector<16xf32>,
    %get3A_62 = vector.shape_cast %get3A_61 : vector<16xf32> to vector<16xf32>
    %mul3A_63 = arith.constant 2.000000e+00 : f32
    %mul3A_64 = vector.broadcast %mul3A_63 : f32 to vector<16xf32>
    %mul3A_65 = arith.mulf %mul3A_64, %get3A_62 : vector<16xf32>
    %sub3A_66 = arith.constant 1.000000e+00 : f32
    %sub3A_67 = vector.broadcast %sub3A_66 : f32 to vector<16xf32>
    %sub3A_68 = arith.subf %sub3A_67, %mul3A_65 : vector<16xf32>
    %swap3A_69 = arith.constant 32 : index
    %swap3A_70 = tpu.vector_load %arg6[%swap3A_69] {strides = array<i32>} : memref<512xf32, #tpu.memory_space<vmem>>, vector<16xf32>,
    %swap3A_71 = vector.shape_cast %swap3A_70 : vector<16xf32> to vector<16xf32>
    %swap3A_72 = vector.shape_cast %sub3A_68 : vector<16xf32> to vector<16xf32>
    tpu.vector_store %arg6[%swap3A_69], %swap3A_72 {strides = array<i32>} : memref<512xf32, #tpu.memory_space<vmem>>, vector<16xf32>,
    %add3A_73 = arith.addf %add3A_59, %get3A_62 : vector<16xf32>
    %get3A_74 = arith.constant 48 : index
    %get3A_75 = tpu.vector_load %arg5[%get3A_74] {strides = array<i32>} : memref<512xf32, #tpu.memory_space<vmem>>, vector<16xf32>,
    %get3A_76 = vector.shape_cast %get3A_75 : vector<16xf32> to vector<16xf32>
    %mul3A_77 = arith.constant 2.000000e+00 : f32
    %mul3A_78 = vector.broadcast %mul3A_77 : f32 to vector<16xf32>
    %mul3A_79 = arith.mulf %mul3A_78, %get3A_76 : vector<16xf32>
    %sub3A_80 = arith.constant 1.000000e+00 : f32
    %sub3A_81 = vector.broadcast %sub3A_80 : f32 to vector<16xf32>
    %sub3A_82 = arith.subf %sub3A_81, %mul3A_79 : vector<16xf32>
    %swap3A_83 = arith.constant 48 : index
    %swap3A_84 = tpu.vector_load %arg6[%swap3A_83] {strides = array<i32>} : memref<512xf32, #tpu.memory_space<vmem>>, vector<16xf32>,
    %swap3A_85 = vector.shape_cast %swap3A_84 : vector<16xf32> to vector<16xf32>
    %swap3A_86 = vector.shape_cast %sub3A_82 : vector<16xf32> to vector<16xf32>
    tpu.vector_store %arg6[%swap3A_83], %swap3A_86 {strides = array<i32>} : memref<512xf32, #tpu.memory_space<vmem>>, vector<16xf32>,
    %add3A_87 = arith.addf %add3A_73, %get3A_76 : vector<16xf32>
    %get3A_88 = arith.constant 64 : index
    %get3A_89 = tpu.vector_load %arg5[%get3A_88] {strides = array<i32>} : memref<512xf32, #tpu.memory_space<vmem>>, vector<16xf32>,
    %get3A_90 = vector.shape_cast %get3A_89 : vector<16xf32> to vector<16xf32>
    %mul3A_91 = arith.constant 2.000000e+00 : f32
    %mul3A_92 = vector.broadcast %mul3A_91 : f32 to vector<16xf32>
    %mul3A_93 = arith.mulf %mul3A_92, %get3A_90 : vector<16xf32>
    %sub3A_94 = arith.constant 1.000000e+00 : f32
    %sub3A_95 = vector.broadcast %sub3A_94 : f32 to vector<16xf32>
    %sub3A_96 = arith.subf %sub3A_95, %mul3A_93 : vector<16xf32>
    %swap3A_97 = arith.constant 64 : index
    %swap3A_98 = tpu.vector_load %arg6[%swap3A_97] {strides = array<i32>} : memref<512xf32, #tpu.memory_space<vmem>>, vector<16xf32>,
    %swap3A_99 = vector.shape_cast %swap3A_98 : vector<16xf32> to vector<16xf32>
    %swap3A_100 = vector.shape_cast %sub3A_96 : vector<16xf32> to vector<16xf32>
    tpu.vector_store %arg6[%swap3A_97], %swap3A_100 {strides = array<i32>} : memref<512xf32, #tpu.memory_space<vmem>>, vector<16xf32>,
    %add3A_101 = arith.addf %add3A_87, %get3A_90 : vector<16xf32>
    %get3A_102 = arith.constant 80 : index
    %get3A_103 = tpu.vector_load %arg5[%get3A_102] {strides = array<i32>} : memref<512xf32, #tpu.memory_space<vmem>>, vector<16xf32>,
    %get3A_104 = vector.shape_cast %get3A_103 : vector<16xf32> to vector<16xf32>
    %mul3A_105 = arith.constant 2.000000e+00 : f32
    %mul3A_106 = vector.broadcast %mul3A_105 : f32 to vector<16xf32>
    %mul3A_107 = arith.mulf %mul3A_106, %get3A_104 : vector<16xf32>
    %sub3A_108 = arith.constant 1.000000e+00 : f32
    %sub3A_109 = vector.broadcast %sub3A_108 : f32 to vector<16xf32>
    %sub3A_110 = arith.subf %sub3A_109, %mul3A_107 : vector<16xf32>
    %swap3A_111 = arith.constant 80 : index
    %swap3A_112 = tpu.vector_load %arg6[%swap3A_111] {strides = array<i32>} : memref<512xf32, #tpu.memory_space<vmem>>, vector<16xf32>,
    %swap3A_113 = vector.shape_cast %swap3A_112 : vector<16xf32> to vector<16xf32>
    %swap3A_114 = vector.shape_cast %sub3A_110 : vector<16xf32> to vector<16xf32>
    tpu.vector_store %arg6[%swap3A_111], %swap3A_114 {strides = array<i32>} : memref<512xf32, #tpu.memory_space<vmem>>, vector<16xf32>,
    %add3A_115 = arith.addf %add3A_101, %get3A_104 : vector<16xf32>
    %get3A_116 = arith.constant 96 : index
    %get3A_117 = tpu.vector_load %arg5[%get3A_116] {strides = array<i32>} : memref<512xf32, #tpu.memory_space<vmem>>, vector<16xf32>,
    %get3A_118 = vector.shape_cast %get3A_117 : vector<16xf32> to vector<16xf32>
    %mul3A_119 = arith.constant 2.000000e+00 : f32
    %mul3A_120 = vector.broadcast %mul3A_119 : f32 to vector<16xf32>
    %mul3A_121 = arith.mulf %mul3A_120, %get3A_118 : vector<16xf32>
    %sub3A_122 = arith.constant 1.000000e+00 : f32
    %sub3A_123 = vector.broadcast %sub3A_122 : f32 to vector<16xf32>
    %sub3A_124 = arith.subf %sub3A_123, %mul3A_121 : vector<16xf32>
    %swap3A_125 = arith.constant 96 : index
    %swap3A_126 = tpu.vector_load %arg6[%swap3A_125] {strides = array<i32>} : memref<512xf32, #tpu.memory_space<vmem>>, vector<16xf32>,
    %swap3A_127 = vector.shape_cast %swap3A_126 : vector<16xf32> to vector<16xf32>
    %swap3A_128 = vector.shape_cast %sub3A_124 : vector<16xf32> to vector<16xf32>
    tpu.vector_store %arg6[%swap3A_125], %swap3A_128 {strides = array<i32>} : memref<512xf32, #tpu.memory_space<vmem>>, vector<16xf32>,
    %add3A_129 = arith.addf %add3A_115, %get3A_118 : vector<16xf32>
    %get3A_130 = arith.constant 112 : index
    %get3A_131 = tpu.vector_load %arg5[%get3A_130] {strides = array<i32>} : memref<512xf32, #tpu.memory_space<vmem>>, vector<16xf32>,
    %get3A_132 = vector.shape_cast %get3A_131 : vector<16xf32> to vector<16xf32>
    %mul3A_133 = arith.constant 2.000000e+00 : f32
    %mul3A_134 = vector.broadcast %mul3A_133 : f32 to vector<16xf32>
    %mul3A_135 = arith.mulf %mul3A_134, %get3A_132 : vector<16xf32>
    %sub3A_136 = arith.constant 1.000000e+00 : f32
    %sub3A_137 = vector.broadcast %sub3A_136 : f32 to vector<16xf32>
    %sub3A_138 = arith.subf %sub3A_137, %mul3A_135 : vector<16xf32>
    %swap3A_139 = arith.constant 112 : index
    %swap3A_140 = tpu.vector_load %arg6[%swap3A_139] {strides = array<i32>} : memref<512xf32, #tpu.memory_space<vmem>>, vector<16xf32>,
    %swap3A_141 = vector.shape_cast %swap3A_140 : vector<16xf32> to vector<16xf32>
    %swap3A_142 = vector.shape_cast %sub3A_138 : vector<16xf32> to vector<16xf32>
    tpu.vector_store %arg6[%swap3A_139], %swap3A_142 {strides = array<i32>} : memref<512xf32, #tpu.memory_space<vmem>>, vector<16xf32>,
    %add3A_143 = arith.addf %add3A_129, %get3A_132 : vector<16xf32>
    %get3A_144 = arith.constant 128 : index
    %get3A_145 = tpu.vector_load %arg5[%get3A_144] {strides = array<i32>} : memref<512xf32, #tpu.memory_space<vmem>>, vector<16xf32>,
    %get3A_146 = vector.shape_cast %get3A_145 : vector<16xf32> to vector<16xf32>
    %mul3A_147 = arith.constant 2.000000e+00 : f32
    %mul3A_148 = vector.broadcast %mul3A_147 : f32 to vector<16xf32>
    %mul3A_149 = arith.mulf %mul3A_148, %get3A_146 : vector<16xf32>
    %sub3A_150 = arith.constant 1.000000e+00 : f32
    %sub3A_151 = vector.broadcast %sub3A_150 : f32 to vector<16xf32>
    %sub3A_152 = arith.subf %sub3A_151, %mul3A_149 : vector<16xf32>
    %swap3A_153 = arith.constant 128 : index
    %swap3A_154 = tpu.vector_load %arg6[%swap3A_153] {strides = array<i32>} : memref<512xf32, #tpu.memory_space<vmem>>, vector<16xf32>,
    %swap3A_155 = vector.shape_cast %swap3A_154 : vector<16xf32> to vector<16xf32>
    %swap3A_156 = vector.shape_cast %sub3A_152 : vector<16xf32> to vector<16xf32>
    tpu.vector_store %arg6[%swap3A_153], %swap3A_156 {strides = array<i32>} : memref<512xf32, #tpu.memory_space<vmem>>, vector<16xf32>,
    %add3A_157 = arith.addf %add3A_143, %get3A_146 : vector<16xf32>
    %get3A_158 = arith.constant 144 : index
    %get3A_159 = tpu.vector_load %arg5[%get3A_158] {strides = array<i32>} : memref<512xf32, #tpu.memory_space<vmem>>, vector<16xf32>,
    %get3A_160 = vector.shape_cast %get3A_159 : vector<16xf32> to vector<16xf32>
    %mul3A_161 = arith.constant 2.000000e+00 : f32
    %mul3A_162 = vector.broadcast %mul3A_161 : f32 to vector<16xf32>
    %mul3A_163 = arith.mulf %mul3A_162, %get3A_160 : vector<16xf32>
    %sub3A_164 = arith.constant 1.000000e+00 : f32
    %sub3A_165 = vector.broadcast %sub3A_164 : f32 to vector<16xf32>
    %sub3A_166 = arith.subf %sub3A_165, %mul3A_163 : vector<16xf32>
    %swap3A_167 = arith.constant 144 : index
    %swap3A_168 = tpu.vector_load %arg6[%swap3A_167] {strides = array<i32>} : memref<512xf32, #tpu.memory_space<vmem>>, vector<16xf32>,
    %swap3A_169 = vector.shape_cast %swap3A_168 : vector<16xf32> to vector<16xf32>
    %swap3A_170 = vector.shape_cast %sub3A_166 : vector<16xf32> to vector<16xf32>
    tpu.vector_store %arg6[%swap3A_167], %swap3A_170 {strides = array<i32>} : memref<512xf32, #tpu.memory_space<vmem>>, vector<16xf32>,
    %add3A_171 = arith.addf %add3A_157, %get3A_160 : vector<16xf32>
    %get3A_172 = arith.constant 160 : index
    %get3A_173 = tpu.vector_load %arg5[%get3A_172] {strides = array<i32>} : memref<512xf32, #tpu.memory_space<vmem>>, vector<16xf32>,
    %get3A_174 = vector.shape_cast %get3A_173 : vector<16xf32> to vector<16xf32>
    %mul3A_175 = arith.constant 2.000000e+00 : f32
    %mul3A_176 = vector.broadcast %mul3A_175 : f32 to vector<16xf32>
    %mul3A_177 = arith.mulf %mul3A_176, %get3A_174 : vector<16xf32>
    %sub3A_178 = arith.constant 1.000000e+00 : f32
    %sub3A_179 = vector.broadcast %sub3A_178 : f32 to vector<16xf32>
    %sub3A_180 = arith.subf %sub3A_179, %mul3A_177 : vector<16xf32>
    %swap3A_181 = arith.constant 160 : index
    %swap3A_182 = tpu.vector_load %arg6[%swap3A_181] {strides = array<i32>} : memref<512xf32, #tpu.memory_space<vmem>>, vector<16xf32>,
    %swap3A_183 = vector.shape_cast %swap3A_182 : vector<16xf32> to vector<16xf32>
    %swap3A_184 = vector.shape_cast %sub3A_180 : vector<16xf32> to vector<16xf32>
    tpu.vector_store %arg6[%swap3A_181], %swap3A_184 {strides = array<i32>} : memref<512xf32, #tpu.memory_space<vmem>>, vector<16xf32>,
    %add3A_185 = arith.addf %add3A_171, %get3A_174 : vector<16xf32>
    %get3A_186 = arith.constant 176 : index
    %get3A_187 = tpu.vector_load %arg5[%get3A_186] {strides = array<i32>} : memref<512xf32, #tpu.memory_space<vmem>>, vector<16xf32>,
    %get3A_188 = vector.shape_cast %get3A_187 : vector<16xf32> to vector<16xf32>
    %mul3A_189 = arith.constant 2.000000e+00 : f32
    %mul3A_190 = vector.broadcast %mul3A_189 : f32 to vector<16xf32>
    %mul3A_191 = arith.mulf %mul3A_190, %get3A_188 : vector<16xf32>
    %sub3A_192 = arith.constant 1.000000e+00 : f32
    %sub3A_193 = vector.broadcast %sub3A_192 : f32 to vector<16xf32>
    %sub3A_194 = arith.subf %sub3A_193, %mul3A_191 : vector<16xf32>
    %swap3A_195 = arith.constant 176 : index
    %swap3A_196 = tpu.vector_load %arg6[%swap3A_195] {strides = array<i32>} : memref<512xf32, #tpu.memory_space<vmem>>, vector<16xf32>,
    %swap3A_197 = vector.shape_cast %swap3A_196 : vector<16xf32> to vector<16xf32>
    %swap3A_198 = vector.shape_cast %sub3A_194 : vector<16xf32> to vector<16xf32>
    tpu.vector_store %arg6[%swap3A_195], %swap3A_198 {strides = array<i32>} : memref<512xf32, #tpu.memory_space<vmem>>, vector<16xf32>,
    %add3A_199 = arith.addf %add3A_185, %get3A_188 : vector<16xf32>
    %get3A_200 = arith.constant 192 : index
    %get3A_201 = tpu.vector_load %arg5[%get3A_200] {strides = array<i32>} : memref<512xf32, #tpu.memory_space<vmem>>, vector<16xf32>,
    %get3A_202 = vector.shape_cast %get3A_201 : vector<16xf32> to vector<16xf32>
    %mul3A_203 = arith.constant 2.000000e+00 : f32
    %mul3A_204 = vector.broadcast %mul3A_203 : f32 to vector<16xf32>
    %mul3A_205 = arith.mulf %mul3A_204, %get3A_202 : vector<16xf32>
    %sub3A_206 = arith.constant 1.000000e+00 : f32
    %sub3A_207 = vector.broadcast %sub3A_206 : f32 to vector<16xf32>
    %sub3A_208 = arith.subf %sub3A_207, %mul3A_205 : vector<16xf32>
    %swap3A_209 = arith.constant 192 : index
    %swap3A_210 = tpu.vector_load %arg6[%swap3A_209] {strides = array<i32>} : memref<512xf32, #tpu.memory_space<vmem>>, vector<16xf32>,
    %swap3A_211 = vector.shape_cast %swap3A_210 : vector<16xf32> to vector<16xf32>
    %swap3A_212 = vector.shape_cast %sub3A_208 : vector<16xf32> to vector<16xf32>
    tpu.vector_store %arg6[%swap3A_209], %swap3A_212 {strides = array<i32>} : memref<512xf32, #tpu.memory_space<vmem>>, vector<16xf32>,
    %add3A_213 = arith.addf %add3A_199, %get3A_202 : vector<16xf32>
    %get3A_214 = arith.constant 208 : index
    %get3A_215 = tpu.vector_load %arg5[%get3A_214] {strides = array<i32>} : memref<512xf32, #tpu.memory_space<vmem>>, vector<16xf32>,
    %get3A_216 = vector.shape_cast %get3A_215 : vector<16xf32> to vector<16xf32>
    %mul3A_217 = arith.constant 2.000000e+00 : f32
    %mul3A_218 = vector.broadcast %mul3A_217 : f32 to vector<16xf32>
    %mul3A_219 = arith.mulf %mul3A_218, %get3A_216 : vector<16xf32>
    %sub3A_220 = arith.constant 1.000000e+00 : f32
    %sub3A_221 = vector.broadcast %sub3A_220 : f32 to vector<16xf32>
    %sub3A_222 = arith.subf %sub3A_221, %mul3A_219 : vector<16xf32>
    %swap3A_223 = arith.constant 208 : index
    %swap3A_224 = tpu.vector_load %arg6[%swap3A_223] {strides = array<i32>} : memref<512xf32, #tpu.memory_space<vmem>>, vector<16xf32>,
    %swap3A_225 = vector.shape_cast %swap3A_224 : vector<16xf32> to vector<16xf32>
    %swap3A_226 = vector.shape_cast %sub3A_222 : vector<16xf32> to vector<16xf32>
    tpu.vector_store %arg6[%swap3A_223], %swap3A_226 {strides = array<i32>} : memref<512xf32, #tpu.memory_space<vmem>>, vector<16xf32>,
    %add3A_227 = arith.addf %add3A_213, %get3A_216 : vector<16xf32>
    %get3A_228 = arith.constant 224 : index
    %get3A_229 = tpu.vector_load %arg5[%get3A_228] {strides = array<i32>} : memref<512xf32, #tpu.memory_space<vmem>>, vector<16xf32>,
    %get3A_230 = vector.shape_cast %get3A_229 : vector<16xf32> to vector<16xf32>
    %mul3A_231 = arith.constant 2.000000e+00 : f32
    %mul3A_232 = vector.broadcast %mul3A_231 : f32 to vector<16xf32>
    %mul3A_233 = arith.mulf %mul3A_232, %get3A_230 : vector<16xf32>
    %sub3A_234 = arith.constant 1.000000e+00 : f32
    %sub3A_235 = vector.broadcast %sub3A_234 : f32 to vector<16xf32>
    %sub3A_236 = arith.subf %sub3A_235, %mul3A_233 : vector<16xf32>
    %swap3A_237 = arith.constant 224 : index
    %swap3A_238 = tpu.vector_load %arg6[%swap3A_237] {strides = array<i32>} : memref<512xf32, #tpu.memory_space<vmem>>, vector<16xf32>,
    %swap3A_239 = vector.shape_cast %swap3A_238 : vector<16xf32> to vector<16xf32>
    %swap3A_240 = vector.shape_cast %sub3A_236 : vector<16xf32> to vector<16xf32>
    tpu.vector_store %arg6[%swap3A_237], %swap3A_240 {strides = array<i32>} : memref<512xf32, #tpu.memory_space<vmem>>, vector<16xf32>,
    %add3A_241 = arith.addf %add3A_227, %get3A_230 : vector<16xf32>
    %get3A_242 = arith.constant 240 : index
    %get3A_243 = tpu.vector_load %arg5[%get3A_242] {strides = array<i32>} : memref<512xf32, #tpu.memory_space<vmem>>, vector<16xf32>,
    %get3A_244 = vector.shape_cast %get3A_243 : vector<16xf32> to vector<16xf32>
    %mul3A_245 = arith.constant 2.000000e+00 : f32
    %mul3A_246 = vector.broadcast %mul3A_245 : f32 to vector<16xf32>
    %mul3A_247 = arith.mulf %mul3A_246, %get3A_244 : vector<16xf32>
    %sub3A_248 = arith.constant 1.000000e+00 : f32
    %sub3A_249 = vector.broadcast %sub3A_248 : f32 to vector<16xf32>
    %sub3A_250 = arith.subf %sub3A_249, %mul3A_247 : vector<16xf32>
    %swap3A_251 = arith.constant 240 : index
    %swap3A_252 = tpu.vector_load %arg6[%swap3A_251] {strides = array<i32>} : memref<512xf32, #tpu.memory_space<vmem>>, vector<16xf32>,
    %swap3A_253 = vector.shape_cast %swap3A_252 : vector<16xf32> to vector<16xf32>
    %swap3A_254 = vector.shape_cast %sub3A_250 : vector<16xf32> to vector<16xf32>
    tpu.vector_store %arg6[%swap3A_251], %swap3A_254 {strides = array<i32>} : memref<512xf32, #tpu.memory_space<vmem>>, vector<16xf32>,
    %add3A_255 = arith.addf %add3A_241, %get3A_244 : vector<16xf32>
    %get3A_256 = arith.constant 256 : index
    %get3A_257 = tpu.vector_load %arg5[%get3A_256] {strides = array<i32>} : memref<512xf32, #tpu.memory_space<vmem>>, vector<16xf32>,
    %get3A_258 = vector.shape_cast %get3A_257 : vector<16xf32> to vector<16xf32>
    %mul3A_259 = arith.constant 2.000000e+00 : f32
    %mul3A_260 = vector.broadcast %mul3A_259 : f32 to vector<16xf32>
    %mul3A_261 = arith.mulf %mul3A_260, %get3A_258 : vector<16xf32>
    %sub3A_262 = arith.constant 1.000000e+00 : f32
    %sub3A_263 = vector.broadcast %sub3A_262 : f32 to vector<16xf32>
    %sub3A_264 = arith.subf %sub3A_263, %mul3A_261 : vector<16xf32>
    %swap3A_265 = arith.constant 256 : index
    %swap3A_266 = tpu.vector_load %arg6[%swap3A_265] {strides = array<i32>} : memref<512xf32, #tpu.memory_space<vmem>>, vector<16xf32>,
    %swap3A_267 = vector.shape_cast %swap3A_266 : vector<16xf32> to vector<16xf32>
    %swap3A_268 = vector.shape_cast %sub3A_264 : vector<16xf32> to vector<16xf32>
    tpu.vector_store %arg6[%swap3A_265], %swap3A_268 {strides = array<i32>} : memref<512xf32, #tpu.memory_space<vmem>>, vector<16xf32>,
    %add3A_269 = arith.addf %add3A_255, %get3A_258 : vector<16xf32>
    %get3A_270 = arith.constant 272 : index
    %get3A_271 = tpu.vector_load %arg5[%get3A_270] {strides = array<i32>} : memref<512xf32, #tpu.memory_space<vmem>>, vector<16xf32>,
    %get3A_272 = vector.shape_cast %get3A_271 : vector<16xf32> to vector<16xf32>
    %mul3A_273 = arith.constant 2.000000e+00 : f32
    %mul3A_274 = vector.broadcast %mul3A_273 : f32 to vector<16xf32>
    %mul3A_275 = arith.mulf %mul3A_274, %get3A_272 : vector<16xf32>
    %sub3A_276 = arith.constant 1.000000e+00 : f32
    %sub3A_277 = vector.broadcast %sub3A_276 : f32 to vector<16xf32>
    %sub3A_278 = arith.subf %sub3A_277, %mul3A_275 : vector<16xf32>
    %swap3A_279 = arith.constant 272 : index
    %swap3A_280 = tpu.vector_load %arg6[%swap3A_279] {strides = array<i32>} : memref<512xf32, #tpu.memory_space<vmem>>, vector<16xf32>,
    %swap3A_281 = vector.shape_cast %swap3A_280 : vector<16xf32> to vector<16xf32>
    %swap3A_282 = vector.shape_cast %sub3A_278 : vector<16xf32> to vector<16xf32>
    tpu.vector_store %arg6[%swap3A_279], %swap3A_282 {strides = array<i32>} : memref<512xf32, #tpu.memory_space<vmem>>, vector<16xf32>,
    %add3A_283 = arith.addf %add3A_269, %get3A_272 : vector<16xf32>
    %get3A_284 = arith.constant 288 : index
    %get3A_285 = tpu.vector_load %arg5[%get3A_284] {strides = array<i32>} : memref<512xf32, #tpu.memory_space<vmem>>, vector<16xf32>,
    %get3A_286 = vector.shape_cast %get3A_285 : vector<16xf32> to vector<16xf32>
    %mul3A_287 = arith.constant 2.000000e+00 : f32
    %mul3A_288 = vector.broadcast %mul3A_287 : f32 to vector<16xf32>
    %mul3A_289 = arith.mulf %mul3A_288, %get3A_286 : vector<16xf32>
    %sub3A_290 = arith.constant 1.000000e+00 : f32
    %sub3A_291 = vector.broadcast %sub3A_290 : f32 to vector<16xf32>
    %sub3A_292 = arith.subf %sub3A_291, %mul3A_289 : vector<16xf32>
    %swap3A_293 = arith.constant 288 : index
    %swap3A_294 = tpu.vector_load %arg6[%swap3A_293] {strides = array<i32>} : memref<512xf32, #tpu.memory_space<vmem>>, vector<16xf32>,
    %swap3A_295 = vector.shape_cast %swap3A_294 : vector<16xf32> to vector<16xf32>
    %swap3A_296 = vector.shape_cast %sub3A_292 : vector<16xf32> to vector<16xf32>
    tpu.vector_store %arg6[%swap3A_293], %swap3A_296 {strides = array<i32>} : memref<512xf32, #tpu.memory_space<vmem>>, vector<16xf32>,
    %add3A_297 = arith.addf %add3A_283, %get3A_286 : vector<16xf32>
    %get3A_298 = arith.constant 304 : index
    %get3A_299 = tpu.vector_load %arg5[%get3A_298] {strides = array<i32>} : memref<512xf32, #tpu.memory_space<vmem>>, vector<16xf32>,
    %get3A_300 = vector.shape_cast %get3A_299 : vector<16xf32> to vector<16xf32>
    %mul3A_301 = arith.constant 2.000000e+00 : f32
    %mul3A_302 = vector.broadcast %mul3A_301 : f32 to vector<16xf32>
    %mul3A_303 = arith.mulf %mul3A_302, %get3A_300 : vector<16xf32>
    %sub3A_304 = arith.constant 1.000000e+00 : f32
    %sub3A_305 = vector.broadcast %sub3A_304 : f32 to vector<16xf32>
    %sub3A_306 = arith.subf %sub3A_305, %mul3A_303 : vector<16xf32>
    %swap3A_307 = arith.constant 304 : index
    %swap3A_308 = tpu.vector_load %arg6[%swap3A_307] {strides = array<i32>} : memref<512xf32, #tpu.memory_space<vmem>>, vector<16xf32>,
    %swap3A_309 = vector.shape_cast %swap3A_308 : vector<16xf32> to vector<16xf32>
    %swap3A_310 = vector.shape_cast %sub3A_306 : vector<16xf32> to vector<16xf32>
    tpu.vector_store %arg6[%swap3A_307], %swap3A_310 {strides = array<i32>} : memref<512xf32, #tpu.memory_space<vmem>>, vector<16xf32>,
    %add3A_311 = arith.addf %add3A_297, %get3A_300 : vector<16xf32>
    %get3A_312 = arith.constant 320 : index
    %get3A_313 = tpu.vector_load %arg5[%get3A_312] {strides = array<i32>} : memref<512xf32, #tpu.memory_space<vmem>>, vector<16xf32>,
    %get3A_314 = vector.shape_cast %get3A_313 : vector<16xf32> to vector<16xf32>
    %mul3A_315 = arith.constant 2.000000e+00 : f32
    %mul3A_316 = vector.broadcast %mul3A_315 : f32 to vector<16xf32>
    %mul3A_317 = arith.mulf %mul3A_316, %get3A_314 : vector<16xf32>
    %sub3A_318 = arith.constant 1.000000e+00 : f32
    %sub3A_319 = vector.broadcast %sub3A_318 : f32 to vector<16xf32>
    %sub3A_320 = arith.subf %sub3A_319, %mul3A_317 : vector<16xf32>
    %swap3A_321 = arith.constant 320 : index
    %swap3A_322 = tpu.vector_load %arg6[%swap3A_321] {strides = array<i32>} : memref<512xf32, #tpu.memory_space<vmem>>, vector<16xf32>,
    %swap3A_323 = vector.shape_cast %swap3A_322 : vector<16xf32> to vector<16xf32>
    %swap3A_324 = vector.shape_cast %sub3A_320 : vector<16xf32> to vector<16xf32>
    tpu.vector_store %arg6[%swap3A_321], %swap3A_324 {strides = array<i32>} : memref<512xf32, #tpu.memory_space<vmem>>, vector<16xf32>,
    %add3A_325 = arith.addf %add3A_311, %get3A_314 : vector<16xf32>
    %get3A_326 = arith.constant 336 : index
    %get3A_327 = tpu.vector_load %arg5[%get3A_326] {strides = array<i32>} : memref<512xf32, #tpu.memory_space<vmem>>, vector<16xf32>,
    %get3A_328 = vector.shape_cast %get3A_327 : vector<16xf32> to vector<16xf32>
    %mul3A_329 = arith.constant 2.000000e+00 : f32
    %mul3A_330 = vector.broadcast %mul3A_329 : f32 to vector<16xf32>
    %mul3A_331 = arith.mulf %mul3A_330, %get3A_328 : vector<16xf32>
    %sub3A_332 = arith.constant 1.000000e+00 : f32
    %sub3A_333 = vector.broadcast %sub3A_332 : f32 to vector<16xf32>
    %sub3A_334 = arith.subf %sub3A_333, %mul3A_331 : vector<16xf32>
    %swap3A_335 = arith.constant 336 : index
    %swap3A_336 = tpu.vector_load %arg6[%swap3A_335] {strides = array<i32>} : memref<512xf32, #tpu.memory_space<vmem>>, vector<16xf32>,
    %swap3A_337 = vector.shape_cast %swap3A_336 : vector<16xf32> to vector<16xf32>
    %swap3A_338 = vector.shape_cast %sub3A_334 : vector<16xf32> to vector<16xf32>
    tpu.vector_store %arg6[%swap3A_335], %swap3A_338 {strides = array<i32>} : memref<512xf32, #tpu.memory_space<vmem>>, vector<16xf32>,
    %add3A_339 = arith.addf %add3A_325, %get3A_328 : vector<16xf32>
    %get3A_340 = arith.constant 352 : index
    %get3A_341 = tpu.vector_load %arg5[%get3A_340] {strides = array<i32>} : memref<512xf32, #tpu.memory_space<vmem>>, vector<16xf32>,
    %get3A_342 = vector.shape_cast %get3A_341 : vector<16xf32> to vector<16xf32>
    %mul3A_343 = arith.constant 2.000000e+00 : f32
    %mul3A_344 = vector.broadcast %mul3A_343 : f32 to vector<16xf32>
    %mul3A_345 = arith.mulf %mul3A_344, %get3A_342 : vector<16xf32>
    %sub3A_346 = arith.constant 1.000000e+00 : f32
    %sub3A_347 = vector.broadcast %sub3A_346 : f32 to vector<16xf32>
    %sub3A_348 = arith.subf %sub3A_347, %mul3A_345 : vector<16xf32>
    %swap3A_349 = arith.constant 352 : index
    %swap3A_350 = tpu.vector_load %arg6[%swap3A_349] {strides = array<i32>} : memref<512xf32, #tpu.memory_space<vmem>>, vector<16xf32>,
    %swap3A_351 = vector.shape_cast %swap3A_350 : vector<16xf32> to vector<16xf32>
    %swap3A_352 = vector.shape_cast %sub3A_348 : vector<16xf32> to vector<16xf32>
    tpu.vector_store %arg6[%swap3A_349], %swap3A_352 {strides = array<i32>} : memref<512xf32, #tpu.memory_space<vmem>>, vector<16xf32>,
    %add3A_353 = arith.addf %add3A_339, %get3A_342 : vector<16xf32>
    %get3A_354 = arith.constant 368 : index
    %get3A_355 = tpu.vector_load %arg5[%get3A_354] {strides = array<i32>} : memref<512xf32, #tpu.memory_space<vmem>>, vector<16xf32>,
    %get3A_356 = vector.shape_cast %get3A_355 : vector<16xf32> to vector<16xf32>
    %mul3A_357 = arith.constant 2.000000e+00 : f32
    %mul3A_358 = vector.broadcast %mul3A_357 : f32 to vector<16xf32>
    %mul3A_359 = arith.mulf %mul3A_358, %get3A_356 : vector<16xf32>
    %sub3A_360 = arith.constant 1.000000e+00 : f32
    %sub3A_361 = vector.broadcast %sub3A_360 : f32 to vector<16xf32>
    %sub3A_362 = arith.subf %sub3A_361, %mul3A_359 : vector<16xf32>
    %swap3A_363 = arith.constant 368 : index
    %swap3A_364 = tpu.vector_load %arg6[%swap3A_363] {strides = array<i32>} : memref<512xf32, #tpu.memory_space<vmem>>, vector<16xf32>,
    %swap3A_365 = vector.shape_cast %swap3A_364 : vector<16xf32> to vector<16xf32>
    %swap3A_366 = vector.shape_cast %sub3A_362 : vector<16xf32> to vector<16xf32>
    tpu.vector_store %arg6[%swap3A_363], %swap3A_366 {strides = array<i32>} : memref<512xf32, #tpu.memory_space<vmem>>, vector<16xf32>,
    %add3A_367 = arith.addf %add3A_353, %get3A_356 : vector<16xf32>
    %get3A_368 = arith.constant 384 : index
    %get3A_369 = tpu.vector_load %arg5[%get3A_368] {strides = array<i32>} : memref<512xf32, #tpu.memory_space<vmem>>, vector<16xf32>,
    %get3A_370 = vector.shape_cast %get3A_369 : vector<16xf32> to vector<16xf32>
    %mul3A_371 = arith.constant 2.000000e+00 : f32
    %mul3A_372 = vector.broadcast %mul3A_371 : f32 to vector<16xf32>
    %mul3A_373 = arith.mulf %mul3A_372, %get3A_370 : vector<16xf32>
    %sub3A_374 = arith.constant 1.000000e+00 : f32
    %sub3A_375 = vector.broadcast %sub3A_374 : f32 to vector<16xf32>
    %sub3A_376 = arith.subf %sub3A_375, %mul3A_373 : vector<16xf32>
    %swap3A_377 = arith.constant 384 : index
    %swap3A_378 = tpu.vector_load %arg6[%swap3A_377] {strides = array<i32>} : memref<512xf32, #tpu.memory_space<vmem>>, vector<16xf32>,
    %swap3A_379 = vector.shape_cast %swap3A_378 : vector<16xf32> to vector<16xf32>
    %swap3A_380 = vector.shape_cast %sub3A_376 : vector<16xf32> to vector<16xf32>
    tpu.vector_store %arg6[%swap3A_377], %swap3A_380 {strides = array<i32>} : memref<512xf32, #tpu.memory_space<vmem>>, vector<16xf32>,
    %add3A_381 = arith.addf %add3A_367, %get3A_370 : vector<16xf32>
    %get3A_382 = arith.constant 400 : index
    %get3A_383 = tpu.vector_load %arg5[%get3A_382] {strides = array<i32>} : memref<512xf32, #tpu.memory_space<vmem>>, vector<16xf32>,
    %get3A_384 = vector.shape_cast %get3A_383 : vector<16xf32> to vector<16xf32>
    %mul3A_385 = arith.constant 2.000000e+00 : f32
    %mul3A_386 = vector.broadcast %mul3A_385 : f32 to vector<16xf32>
    %mul3A_387 = arith.mulf %mul3A_386, %get3A_384 : vector<16xf32>
    %sub3A_388 = arith.constant 1.000000e+00 : f32
    %sub3A_389 = vector.broadcast %sub3A_388 : f32 to vector<16xf32>
    %sub3A_390 = arith.subf %sub3A_389, %mul3A_387 : vector<16xf32>
    %swap3A_391 = arith.constant 400 : index
    %swap3A_392 = tpu.vector_load %arg6[%swap3A_391] {strides = array<i32>} : memref<512xf32, #tpu.memory_space<vmem>>, vector<16xf32>,
    %swap3A_393 = vector.shape_cast %swap3A_392 : vector<16xf32> to vector<16xf32>
    %swap3A_394 = vector.shape_cast %sub3A_390 : vector<16xf32> to vector<16xf32>
    tpu.vector_store %arg6[%swap3A_391], %swap3A_394 {strides = array<i32>} : memref<512xf32, #tpu.memory_space<vmem>>, vector<16xf32>,
    %add3A_395 = arith.addf %add3A_381, %get3A_384 : vector<16xf32>
    %get3A_396 = arith.constant 416 : index
    %get3A_397 = tpu.vector_load %arg5[%get3A_396] {strides = array<i32>} : memref<512xf32, #tpu.memory_space<vmem>>, vector<16xf32>,
    %get3A_398 = vector.shape_cast %get3A_397 : vector<16xf32> to vector<16xf32>
    %mul3A_399 = arith.constant 2.000000e+00 : f32
    %mul3A_400 = vector.broadcast %mul3A_399 : f32 to vector<16xf32>
    %mul3A_401 = arith.mulf %mul3A_400, %get3A_398 : vector<16xf32>
    %sub3A_402 = arith.constant 1.000000e+00 : f32
    %sub3A_403 = vector.broadcast %sub3A_402 : f32 to vector<16xf32>
    %sub3A_404 = arith.subf %sub3A_403, %mul3A_401 : vector<16xf32>
    %swap3A_405 = arith.constant 416 : index
    %swap3A_406 = tpu.vector_load %arg6[%swap3A_405] {strides = array<i32>} : memref<512xf32, #tpu.memory_space<vmem>>, vector<16xf32>,
    %swap3A_407 = vector.shape_cast %swap3A_406 : vector<16xf32> to vector<16xf32>
    %swap3A_408 = vector.shape_cast %sub3A_404 : vector<16xf32> to vector<16xf32>
    tpu.vector_store %arg6[%swap3A_405], %swap3A_408 {strides = array<i32>} : memref<512xf32, #tpu.memory_space<vmem>>, vector<16xf32>,
    %add3A_409 = arith.addf %add3A_395, %get3A_398 : vector<16xf32>
    %get3A_410 = arith.constant 432 : index
    %get3A_411 = tpu.vector_load %arg5[%get3A_410] {strides = array<i32>} : memref<512xf32, #tpu.memory_space<vmem>>, vector<16xf32>,
    %get3A_412 = vector.shape_cast %get3A_411 : vector<16xf32> to vector<16xf32>
    %mul3A_413 = arith.constant 2.000000e+00 : f32
    %mul3A_414 = vector.broadcast %mul3A_413 : f32 to vector<16xf32>
    %mul3A_415 = arith.mulf %mul3A_414, %get3A_412 : vector<16xf32>
    %sub3A_416 = arith.constant 1.000000e+00 : f32
    %sub3A_417 = vector.broadcast %sub3A_416 : f32 to vector<16xf32>
    %sub3A_418 = arith.subf %sub3A_417, %mul3A_415 : vector<16xf32>
    %swap3A_419 = arith.constant 432 : index
    %swap3A_420 = tpu.vector_load %arg6[%swap3A_419] {strides = array<i32>} : memref<512xf32, #tpu.memory_space<vmem>>, vector<16xf32>,
    %swap3A_421 = vector.shape_cast %swap3A_420 : vector<16xf32> to vector<16xf32>
    %swap3A_422 = vector.shape_cast %sub3A_418 : vector<16xf32> to vector<16xf32>
    tpu.vector_store %arg6[%swap3A_419], %swap3A_422 {strides = array<i32>} : memref<512xf32, #tpu.memory_space<vmem>>, vector<16xf32>,
    %add3A_423 = arith.addf %add3A_409, %get3A_412 : vector<16xf32>
    %get3A_424 = arith.constant 448 : index
    %get3A_425 = tpu.vector_load %arg5[%get3A_424] {strides = array<i32>} : memref<512xf32, #tpu.memory_space<vmem>>, vector<16xf32>,
    %get3A_426 = vector.shape_cast %get3A_425 : vector<16xf32> to vector<16xf32>
    %mul3A_427 = arith.constant 2.000000e+00 : f32
    %mul3A_428 = vector.broadcast %mul3A_427 : f32 to vector<16xf32>
    %mul3A_429 = arith.mulf %mul3A_428, %get3A_426 : vector<16xf32>
    %sub3A_430 = arith.constant 1.000000e+00 : f32
    %sub3A_431 = vector.broadcast %sub3A_430 : f32 to vector<16xf32>
    %sub3A_432 = arith.subf %sub3A_431, %mul3A_429 : vector<16xf32>
    %swap3A_433 = arith.constant 448 : index
    %swap3A_434 = tpu.vector_load %arg6[%swap3A_433] {strides = array<i32>} : memref<512xf32, #tpu.memory_space<vmem>>, vector<16xf32>,
    %swap3A_435 = vector.shape_cast %swap3A_434 : vector<16xf32> to vector<16xf32>
    %swap3A_436 = vector.shape_cast %sub3A_432 : vector<16xf32> to vector<16xf32>
    tpu.vector_store %arg6[%swap3A_433], %swap3A_436 {strides = array<i32>} : memref<512xf32, #tpu.memory_space<vmem>>, vector<16xf32>,
    %add3A_437 = arith.addf %add3A_423, %get3A_426 : vector<16xf32>
    %get3A_438 = arith.constant 464 : index
    %get3A_439 = tpu.vector_load %arg5[%get3A_438] {strides = array<i32>} : memref<512xf32, #tpu.memory_space<vmem>>, vector<16xf32>,
    %get3A_440 = vector.shape_cast %get3A_439 : vector<16xf32> to vector<16xf32>
    %mul3A_441 = arith.constant 2.000000e+00 : f32
    %mul3A_442 = vector.broadcast %mul3A_441 : f32 to vector<16xf32>
    %mul3A_443 = arith.mulf %mul3A_442, %get3A_440 : vector<16xf32>
    %sub3A_444 = arith.constant 1.000000e+00 : f32
    %sub3A_445 = vector.broadcast %sub3A_444 : f32 to vector<16xf32>
    %sub3A_446 = arith.subf %sub3A_445, %mul3A_443 : vector<16xf32>
    %swap3A_447 = arith.constant 464 : index
    %swap3A_448 = tpu.vector_load %arg6[%swap3A_447] {strides = array<i32>} : memref<512xf32, #tpu.memory_space<vmem>>, vector<16xf32>,
    %swap3A_449 = vector.shape_cast %swap3A_448 : vector<16xf32> to vector<16xf32>
    %swap3A_450 = vector.shape_cast %sub3A_446 : vector<16xf32> to vector<16xf32>
    tpu.vector_store %arg6[%swap3A_447], %swap3A_450 {strides = array<i32>} : memref<512xf32, #tpu.memory_space<vmem>>, vector<16xf32>,
    %add3A_451 = arith.addf %add3A_437, %get3A_440 : vector<16xf32>
    %get3A_452 = arith.constant 480 : index
    %get3A_453 = tpu.vector_load %arg5[%get3A_452] {strides = array<i32>} : memref<512xf32, #tpu.memory_space<vmem>>, vector<16xf32>,
    %get3A_454 = vector.shape_cast %get3A_453 : vector<16xf32> to vector<16xf32>
    %mul3A_455 = arith.constant 2.000000e+00 : f32
    %mul3A_456 = vector.broadcast %mul3A_455 : f32 to vector<16xf32>
    %mul3A_457 = arith.mulf %mul3A_456, %get3A_454 : vector<16xf32>
    %sub3A_458 = arith.constant 1.000000e+00 : f32
    %sub3A_459 = vector.broadcast %sub3A_458 : f32 to vector<16xf32>
    %sub3A_460 = arith.subf %sub3A_459, %mul3A_457 : vector<16xf32>
    %swap3A_461 = arith.constant 480 : index
    %swap3A_462 = tpu.vector_load %arg6[%swap3A_461] {strides = array<i32>} : memref<512xf32, #tpu.memory_space<vmem>>, vector<16xf32>,
    %swap3A_463 = vector.shape_cast %swap3A_462 : vector<16xf32> to vector<16xf32>
    %swap3A_464 = vector.shape_cast %sub3A_460 : vector<16xf32> to vector<16xf32>
    tpu.vector_store %arg6[%swap3A_461], %swap3A_464 {strides = array<i32>} : memref<512xf32, #tpu.memory_space<vmem>>, vector<16xf32>,
    %add3A_465 = arith.addf %add3A_451, %get3A_454 : vector<16xf32>
    %get3A_466 = arith.constant 496 : index
    %get3A_467 = tpu.vector_load %arg5[%get3A_466] {strides = array<i32>} : memref<512xf32, #tpu.memory_space<vmem>>, vector<16xf32>,
    %get3A_468 = vector.shape_cast %get3A_467 : vector<16xf32> to vector<16xf32>
    %mul3A_469 = arith.constant 2.000000e+00 : f32
    %mul3A_470 = vector.broadcast %mul3A_469 : f32 to vector<16xf32>
    %mul3A_471 = arith.mulf %mul3A_470, %get3A_468 : vector<16xf32>
    %sub3A_472 = arith.constant 1.000000e+00 : f32
    %sub3A_473 = vector.broadcast %sub3A_472 : f32 to vector<16xf32>
    %sub3A_474 = arith.subf %sub3A_473, %mul3A_471 : vector<16xf32>
    %swap3A_475 = arith.constant 496 : index
    %swap3A_476 = tpu.vector_load %arg6[%swap3A_475] {strides = array<i32>} : memref<512xf32, #tpu.memory_space<vmem>>, vector<16xf32>,
    %swap3A_477 = vector.shape_cast %swap3A_476 : vector<16xf32> to vector<16xf32>
    %swap3A_478 = vector.shape_cast %sub3A_474 : vector<16xf32> to vector<16xf32>
    tpu.vector_store %arg6[%swap3A_475], %swap3A_478 {strides = array<i32>} : memref<512xf32, #tpu.memory_space<vmem>>, vector<16xf32>,
    %add3A_479 = arith.addf %add3A_465, %get3A_468 : vector<16xf32>
    %broadcast_in_dim3A_480 = vector.shape_cast %xor3A_2 : vector<16xi32> to vector<16x1xi32>
    %gather3A = vector.shape_cast %broadcast_in_dim3A_480 : vector<16x1xi32> to vector<16xi32>
    %gather3A_481 = tpu.dynamic_gather %add3A_479[%gather3A] in [0] : vector<16xf32>, vector<16xi32> -> vector<16xf32>
    %add3A_482 = arith.addf %add3A_479, %gather3A_481 : vector<16xf32>
    %broadcast_in_dim3A_483 = vector.shape_cast %xor3A_5 : vector<16xi32> to vector<16x1xi32>
    %gather3A_484 = vector.shape_cast %broadcast_in_dim3A_483 : vector<16x1xi32> to vector<16xi32>
    %gather3A_485 = tpu.dynamic_gather %add3A_482[%gather3A_484] in [0] : vector<16xf32>, vector<16xi32> -> vector<16xf32>
    %add3A_486 = arith.addf %add3A_482, %gather3A_485 : vector<16xf32>
    %broadcast_in_dim3A_487 = vector.shape_cast %xor3A_8 : vector<16xi32> to vector<16x1xi32>
    %gather3A_488 = vector.shape_cast %broadcast_in_dim3A_487 : vector<16x1xi32> to vector<16xi32>
    %gather3A_489 = tpu.dynamic_gather %add3A_486[%gather3A_488] in [0] : vector<16xf32>, vector<16xi32> -> vector<16xf32>
    %add3A_490 = arith.addf %add3A_486, %gather3A_489 : vector<16xf32>
    %broadcast_in_dim3A_491 = vector.shape_cast %xor3A_11 : vector<16xi32> to vector<16x1xi32>
    %gather3A_492 = vector.shape_cast %broadcast_in_dim3A_491 : vector<16x1xi32> to vector<16xi32>
    %gather3A_493 = tpu.dynamic_gather %add3A_490[%gather3A_492] in [0] : vector<16xf32>, vector<16xi32> -> vector<16xf32>
    %add3A_494 = arith.addf %add3A_490, %gather3A_493 : vector<16xf32>
    %sub3A_495 = arith.constant 1.000000e+00 : f32
    %sub3A_496 = vector.broadcast %sub3A_495 : f32 to vector<16xf32>
    %sub3A_497 = arith.subf %sub3A_496, %add3A_494 : vector<16xf32>
    %add3A_498 = arith.constant 0 : i32
    %add3A_499 = arith.addi %add3A, %add3A_498 : i32
    %min3A = arith.constant 699 : i32
    %min3A_500 = arith.minsi %add3A_499, %min3A : i32
    %mul3A_501 = arith.constant 80 : i32
    %mul3A_502 = arith.muli %min3A_500, %mul3A_501 : i32
    %dma_start3A = arith.constant 0 : i32
    %dma_start3A_503 = tpu.memref_slice %arg3[%mul3A_502, %dma_start3A] : memref<100000x512xf32, #tpu.memory_space<hbm>> -> memref<80x512xf32, #tpu.memory_space<hbm>>
    %dma_start3A_504 = arith.constant 0 : i32
    %dma_start3A_505 = tpu.memref_slice %arg3[%mul3A_502, %dma_start3A_504] : memref<100000x512xf32, #tpu.memory_space<hbm>> -> memref<80x512xf32, #tpu.memory_space<hbm>>
    tpu.enqueue_dma source(%dma_start3A_505 : memref<80x512xf32, #tpu.memory_space<hbm>>) target(%arg7 : memref<80x512xf32, #tpu.memory_space<vmem>>) target_semaphore(%arg11 : memref<!tpu.dma_semaphore, #tpu.memory_space<semaphore_mem>>)
    %add3A_506 = arith.constant 32 : i32
    %add3A_507 = arith.addi %add3A, %add3A_506 : i32
    %min3A_508 = arith.constant 699 : i32
    %min3A_509 = arith.minsi %add3A_507, %min3A_508 : i32
    %mul3A_510 = arith.constant 80 : i32
    %mul3A_511 = arith.muli %min3A_509, %mul3A_510 : i32
    %dma_start3A_512 = arith.constant 0 : i32
    %dma_start3A_513 = tpu.memref_slice %arg3[%mul3A_511, %dma_start3A_512] : memref<100000x512xf32, #tpu.memory_space<hbm>> -> memref<80x512xf32, #tpu.memory_space<hbm>>
    %dma_start3A_514 = arith.constant 0 : i32
    %dma_start3A_515 = tpu.memref_slice %arg3[%mul3A_511, %dma_start3A_514] : memref<100000x512xf32, #tpu.memory_space<hbm>> -> memref<80x512xf32, #tpu.memory_space<hbm>>
    tpu.enqueue_dma source(%dma_start3A_515 : memref<80x512xf32, #tpu.memory_space<hbm>>) target(%arg8 : memref<80x512xf32, #tpu.memory_space<vmem>>) target_semaphore(%arg12 : memref<!tpu.dma_semaphore, #tpu.memory_space<semaphore_mem>>)
    %scan3A = arith.constant 0 : i32
    %scan3A_516 = arith.constant 0 : i32
    %scan3A_517 = arith.constant 11 : i32
    %scan3A_518 = arith.addi %scan3A_516, %scan3A_517 : i32
    %scan3A_519 = arith.constant 1 : i32
    scf.for %scan3A_536 = %scan3A_516 to %scan3A_518 step %scan3A_519  : i32 {
      %mul3A_537 = arith.constant 2 : i32
      %mul3A_538 = arith.muli %scan3A_536, %mul3A_537 : i32
      %add3A_539 = arith.constant 0 : i32
      %add3A_540 = arith.addi %mul3A_538, %add3A_539 : i32
      %mul3A_541 = arith.constant 32 : i32
      %mul3A_542 = arith.muli %add3A_540, %mul3A_541 : i32
      %add3A_543 = arith.addi %add3A, %mul3A_542 : i32
      %min3A_544 = arith.constant 699 : i32
      %min3A_545 = arith.minsi %add3A_543, %min3A_544 : i32
      %mul3A_546 = arith.constant 80 : i32
      %mul3A_547 = arith.muli %min3A_545, %mul3A_546 : i32
      %dma_wait3A_548 = arith.constant 0 : i32
      %dma_wait3A_549 = tpu.memref_slice %arg3[%mul3A_547, %dma_wait3A_548] : memref<100000x512xf32, #tpu.memory_space<hbm>> -> memref<80x512xf32, #tpu.memory_space<hbm>>
      %dma_wait3A_550 = arith.constant 0 : i32
      %dma_wait3A_551 = tpu.memref_slice %arg3[%mul3A_547, %dma_wait3A_550] : memref<100000x512xf32, #tpu.memory_space<hbm>> -> memref<80x512xf32, #tpu.memory_space<hbm>>
      tpu.wait_dma2 semaphore(%arg11 : memref<!tpu.dma_semaphore, #tpu.memory_space<semaphore_mem>>) src(%dma_wait3A_551 : memref<80x512xf32, #tpu.memory_space<hbm>>) dst(%arg7 : memref<80x512xf32, #tpu.memory_space<vmem>>)
      %ge3A = arith.constant 2 : i32
      %ge3A_552 = arith.cmpi sge, %add3A_540, %ge3A : i32
      %convert_element_type3A = arith.extui %ge3A_552 : i1 to i32
      %cond3A = arith.constant 0 : i32
      %cond3A_553 = arith.cmpi ne, %convert_element_type3A, %cond3A : i32
      scf.if %cond3A_553 {
        %sub3A_605 = arith.constant 2 : i32
        %sub3A_606 = arith.subi %add3A_540, %sub3A_605 : i32
        %mul3A_607 = arith.constant 32 : i32
        %mul3A_608 = arith.muli %sub3A_606, %mul3A_607 : i32
        %add3A_609 = arith.addi %add3A, %mul3A_608 : i32
        %min3A_610 = arith.constant 699 : i32
        %min3A_611 = arith.minsi %add3A_609, %min3A_610 : i32
        %mul3A_612 = arith.constant 80 : i32
        %mul3A_613 = arith.muli %min3A_611, %mul3A_612 : i32
        %dma_wait3A_614 = tpu.memref_slice %arg4[%mul3A_613] : memref<56000xf32, #tpu.memory_space<hbm>> -> memref<80xf32, #tpu.memory_space<hbm>>
        %dma_wait3A_615 = tpu.memref_slice %arg4[%mul3A_613] : memref<56000xf32, #tpu.memory_space<hbm>> -> memref<80xf32, #tpu.memory_space<hbm>>
        tpu.wait_dma2 semaphore(%arg13 : memref<!tpu.dma_semaphore, #tpu.memory_space<semaphore_mem>>) src(%arg9 : memref<80xf32, #tpu.memory_space<vmem>>) dst(%dma_wait3A_615 : memref<80xf32, #tpu.memory_space<hbm>>)
      } else {
      }
      %scan3A_554 = arith.constant 0 : i32
      %scan3A_555 = arith.constant 0 : i32
      %scan3A_556 = arith.constant 5 : i32
      %scan3A_557 = arith.addi %scan3A_555, %scan3A_556 : i32
      %scan3A_558 = arith.constant 1 : i32
      scf.for %scan3A_605 = %scan3A_555 to %scan3A_557 step %scan3A_558  : i32 {
        %mul3A_606 = arith.constant 16 : i32
        %mul3A_607 = arith.muli %scan3A_605, %mul3A_606 : i32
        %broadcast_in_dim3A_608 = arith.constant 0.000000e+00 : f32
        %broadcast_in_dim3A_609 = vector.broadcast %broadcast_in_dim3A_608 : f32 to vector<16xf32>
        %broadcast_in_dim3A_610 = arith.constant 0.000000e+00 : f32
        %broadcast_in_dim3A_611 = vector.broadcast %broadcast_in_dim3A_610 : f32 to vector<16xf32>
        %broadcast_in_dim3A_612 = arith.constant 0.000000e+00 : f32
        %broadcast_in_dim3A_613 = vector.broadcast %broadcast_in_dim3A_612 : f32 to vector<16xf32>
        %broadcast_in_dim3A_614 = arith.constant 0.000000e+00 : f32
        %broadcast_in_dim3A_615 = vector.broadcast %broadcast_in_dim3A_614 : f32 to vector<16xf32>
        %broadcast_in_dim3A_616 = arith.constant 0.000000e+00 : f32
        %broadcast_in_dim3A_617 = vector.broadcast %broadcast_in_dim3A_616 : f32 to vector<16xf32>
        %broadcast_in_dim3A_618 = arith.constant 0.000000e+00 : f32
        %broadcast_in_dim3A_619 = vector.broadcast %broadcast_in_dim3A_618 : f32 to vector<16xf32>
        %broadcast_in_dim3A_620 = arith.constant 0.000000e+00 : f32
        %broadcast_in_dim3A_621 = vector.broadcast %broadcast_in_dim3A_620 : f32 to vector<16xf32>
        %broadcast_in_dim3A_622 = arith.constant 0.000000e+00 : f32
        %broadcast_in_dim3A_623 = vector.broadcast %broadcast_in_dim3A_622 : f32 to vector<16xf32>
        %broadcast_in_dim3A_624 = arith.constant 0.000000e+00 : f32
        %broadcast_in_dim3A_625 = vector.broadcast %broadcast_in_dim3A_624 : f32 to vector<16xf32>
        %broadcast_in_dim3A_626 = arith.constant 0.000000e+00 : f32
        %broadcast_in_dim3A_627 = vector.broadcast %broadcast_in_dim3A_626 : f32 to vector<16xf32>
        %broadcast_in_dim3A_628 = arith.constant 0.000000e+00 : f32
        %broadcast_in_dim3A_629 = vector.broadcast %broadcast_in_dim3A_628 : f32 to vector<16xf32>
        %broadcast_in_dim3A_630 = arith.constant 0.000000e+00 : f32
        %broadcast_in_dim3A_631 = vector.broadcast %broadcast_in_dim3A_630 : f32 to vector<16xf32>
        %broadcast_in_dim3A_632 = arith.constant 0.000000e+00 : f32
        %broadcast_in_dim3A_633 = vector.broadcast %broadcast_in_dim3A_632 : f32 to vector<16xf32>
        %broadcast_in_dim3A_634 = arith.constant 0.000000e+00 : f32
        %broadcast_in_dim3A_635 = vector.broadcast %broadcast_in_dim3A_634 : f32 to vector<16xf32>
        %broadcast_in_dim3A_636 = arith.constant 0.000000e+00 : f32
        %broadcast_in_dim3A_637 = vector.broadcast %broadcast_in_dim3A_636 : f32 to vector<16xf32>
        %broadcast_in_dim3A_638 = arith.constant 0.000000e+00 : f32
        %broadcast_in_dim3A_639 = vector.broadcast %broadcast_in_dim3A_638 : f32 to vector<16xf32>
        %scan3A_640 = arith.constant 0 : i32
        %scan3A_641 = arith.constant 32 : i32
        %scan3A_642 = arith.addi %scan3A_640, %scan3A_641 : i32
        %scan3A_643 = arith.constant 2 : i32
        %scan3A_644:16 = scf.for %scan3A_790 = %scan3A_640 to %scan3A_642 step %scan3A_643 iter_args(%scan3A_791 = %broadcast_in_dim3A_609, %scan3A_792 = %broadcast_in_dim3A_611, %scan3A_793 = %broadcast_in_dim3A_613, %scan3A_794 = %broadcast_in_dim3A_615, %scan3A_795 = %broadcast_in_dim3A_617, %scan3A_796 = %broadcast_in_dim3A_619, %scan3A_797 = %broadcast_in_dim3A_621, %scan3A_798 = %broadcast_in_dim3A_623, %scan3A_799 = %broadcast_in_dim3A_625, %scan3A_800 = %broadcast_in_dim3A_627, %scan3A_801 = %broadcast_in_dim3A_629, %scan3A_802 = %broadcast_in_dim3A_631, %scan3A_803 = %broadcast_in_dim3A_633, %scan3A_804 = %broadcast_in_dim3A_635, %scan3A_805 = %broadcast_in_dim3A_637, %scan3A_806 = %broadcast_in_dim3A_639) -> (vector<16xf32>, vector<16xf32>, vector<16xf32>, vector<16xf32>, vector<16xf32>, vector<16xf32>, vector<16xf32>, vector<16xf32>, vector<16xf32>, vector<16xf32>, vector<16xf32>, vector<16xf32>, vector<16xf32>, vector<16xf32>, vector<16xf32>, vector<16xf32>)  : i32 {
          %mul3A_807 = arith.constant 16 : i32
          %mul3A_808 = arith.muli %scan3A_790, %mul3A_807 : i32
          %get3A_809 = arith.index_cast %mul3A_808 : i32 to index
          %get3A_810 = tpu.vector_load %arg6[%get3A_809] {strides = array<i32>} : memref<512xf32, #tpu.memory_space<vmem>>, vector<16xf32>,
          %get3A_811 = vector.shape_cast %get3A_810 : vector<16xf32> to vector<16xf32>
          %add3A_812 = arith.constant 0 : i32
          %add3A_813 = arith.addi %mul3A_607, %add3A_812 : i32
          %get3A_814 = arith.index_cast %add3A_813 : i32 to index
          %get3A_815 = arith.index_cast %mul3A_808 : i32 to index
          %get3A_816 = tpu.vector_load %arg7[%get3A_814, %get3A_815] {strides = array<i32>} : memref<80x512xf32, #tpu.memory_space<vmem>>, vector<1x16xf32>,
          %get3A_817 = vector.shape_cast %get3A_816 : vector<1x16xf32> to vector<16xf32>
          %mul3A_818 = arith.mulf %get3A_817, %get3A_811 : vector<16xf32>
          %add3A_819 = arith.addf %scan3A_791, %mul3A_818 : vector<16xf32>
          %add3A_820 = arith.constant 1 : i32
          %add3A_821 = arith.addi %mul3A_607, %add3A_820 : i32
          %get3A_822 = arith.index_cast %add3A_821 : i32 to index
          %get3A_823 = arith.index_cast %mul3A_808 : i32 to index
          %get3A_824 = tpu.vector_load %arg7[%get3A_822, %get3A_823] {strides = array<i32>} : memref<80x512xf32, #tpu.memory_space<vmem>>, vector<1x16xf32>,
          %get3A_825 = vector.shape_cast %get3A_824 : vector<1x16xf32> to vector<16xf32>
          %mul3A_826 = arith.mulf %get3A_825, %get3A_811 : vector<16xf32>
          %add3A_827 = arith.addf %scan3A_792, %mul3A_826 : vector<16xf32>
          %add3A_828 = arith.constant 2 : i32
          %add3A_829 = arith.addi %mul3A_607, %add3A_828 : i32
          %get3A_830 = arith.index_cast %add3A_829 : i32 to index
          %get3A_831 = arith.index_cast %mul3A_808 : i32 to index
          %get3A_832 = tpu.vector_load %arg7[%get3A_830, %get3A_831] {strides = array<i32>} : memref<80x512xf32, #tpu.memory_space<vmem>>, vector<1x16xf32>,
          %get3A_833 = vector.shape_cast %get3A_832 : vector<1x16xf32> to vector<16xf32>
          %mul3A_834 = arith.mulf %get3A_833, %get3A_811 : vector<16xf32>
          %add3A_835 = arith.addf %scan3A_793, %mul3A_834 : vector<16xf32>
          %add3A_836 = arith.constant 3 : i32
          %add3A_837 = arith.addi %mul3A_607, %add3A_836 : i32
          %get3A_838 = arith.index_cast %add3A_837 : i32 to index
          %get3A_839 = arith.index_cast %mul3A_808 : i32 to index
          %get3A_840 = tpu.vector_load %arg7[%get3A_838, %get3A_839] {strides = array<i32>} : memref<80x512xf32, #tpu.memory_space<vmem>>, vector<1x16xf32>,
          %get3A_841 = vector.shape_cast %get3A_840 : vector<1x16xf32> to vector<16xf32>
          %mul3A_842 = arith.mulf %get3A_841, %get3A_811 : vector<16xf32>
          %add3A_843 = arith.addf %scan3A_794, %mul3A_842 : vector<16xf32>
          %add3A_844 = arith.constant 4 : i32
          %add3A_845 = arith.addi %mul3A_607, %add3A_844 : i32
          %get3A_846 = arith.index_cast %add3A_845 : i32 to index
          %get3A_847 = arith.index_cast %mul3A_808 : i32 to index
          %get3A_848 = tpu.vector_load %arg7[%get3A_846, %get3A_847] {strides = array<i32>} : memref<80x512xf32, #tpu.memory_space<vmem>>, vector<1x16xf32>,
          %get3A_849 = vector.shape_cast %get3A_848 : vector<1x16xf32> to vector<16xf32>
          %mul3A_850 = arith.mulf %get3A_849, %get3A_811 : vector<16xf32>
          %add3A_851 = arith.addf %scan3A_795, %mul3A_850 : vector<16xf32>
          %add3A_852 = arith.constant 5 : i32
          %add3A_853 = arith.addi %mul3A_607, %add3A_852 : i32
          %get3A_854 = arith.index_cast %add3A_853 : i32 to index
          %get3A_855 = arith.index_cast %mul3A_808 : i32 to index
          %get3A_856 = tpu.vector_load %arg7[%get3A_854, %get3A_855] {strides = array<i32>} : memref<80x512xf32, #tpu.memory_space<vmem>>, vector<1x16xf32>,
          %get3A_857 = vector.shape_cast %get3A_856 : vector<1x16xf32> to vector<16xf32>
          %mul3A_858 = arith.mulf %get3A_857, %get3A_811 : vector<16xf32>
          %add3A_859 = arith.addf %scan3A_796, %mul3A_858 : vector<16xf32>
          %add3A_860 = arith.constant 6 : i32
          %add3A_861 = arith.addi %mul3A_607, %add3A_860 : i32
          %get3A_862 = arith.index_cast %add3A_861 : i32 to index
          %get3A_863 = arith.index_cast %mul3A_808 : i32 to index
          %get3A_864 = tpu.vector_load %arg7[%get3A_862, %get3A_863] {strides = array<i32>} : memref<80x512xf32, #tpu.memory_space<vmem>>, vector<1x16xf32>,
          %get3A_865 = vector.shape_cast %get3A_864 : vector<1x16xf32> to vector<16xf32>
          %mul3A_866 = arith.mulf %get3A_865, %get3A_811 : vector<16xf32>
          %add3A_867 = arith.addf %scan3A_797, %mul3A_866 : vector<16xf32>
          %add3A_868 = arith.constant 7 : i32
          %add3A_869 = arith.addi %mul3A_607, %add3A_868 : i32
          %get3A_870 = arith.index_cast %add3A_869 : i32 to index
          %get3A_871 = arith.index_cast %mul3A_808 : i32 to index
          %get3A_872 = tpu.vector_load %arg7[%get3A_870, %get3A_871] {strides = array<i32>} : memref<80x512xf32, #tpu.memory_space<vmem>>, vector<1x16xf32>,
          %get3A_873 = vector.shape_cast %get3A_872 : vector<1x16xf32> to vector<16xf32>
          %mul3A_874 = arith.mulf %get3A_873, %get3A_811 : vector<16xf32>
          %add3A_875 = arith.addf %scan3A_798, %mul3A_874 : vector<16xf32>
          %add3A_876 = arith.constant 8 : i32
          %add3A_877 = arith.addi %mul3A_607, %add3A_876 : i32
          %get3A_878 = arith.index_cast %add3A_877 : i32 to index
          %get3A_879 = arith.index_cast %mul3A_808 : i32 to index
          %get3A_880 = tpu.vector_load %arg7[%get3A_878, %get3A_879] {strides = array<i32>} : memref<80x512xf32, #tpu.memory_space<vmem>>, vector<1x16xf32>,
          %get3A_881 = vector.shape_cast %get3A_880 : vector<1x16xf32> to vector<16xf32>
          %mul3A_882 = arith.mulf %get3A_881, %get3A_811 : vector<16xf32>
          %add3A_883 = arith.addf %scan3A_799, %mul3A_882 : vector<16xf32>
          %add3A_884 = arith.constant 9 : i32
          %add3A_885 = arith.addi %mul3A_607, %add3A_884 : i32
          %get3A_886 = arith.index_cast %add3A_885 : i32 to index
          %get3A_887 = arith.index_cast %mul3A_808 : i32 to index
          %get3A_888 = tpu.vector_load %arg7[%get3A_886, %get3A_887] {strides = array<i32>} : memref<80x512xf32, #tpu.memory_space<vmem>>, vector<1x16xf32>,
          %get3A_889 = vector.shape_cast %get3A_888 : vector<1x16xf32> to vector<16xf32>
          %mul3A_890 = arith.mulf %get3A_889, %get3A_811 : vector<16xf32>
          %add3A_891 = arith.addf %scan3A_800, %mul3A_890 : vector<16xf32>
          %add3A_892 = arith.constant 10 : i32
          %add3A_893 = arith.addi %mul3A_607, %add3A_892 : i32
          %get3A_894 = arith.index_cast %add3A_893 : i32 to index
          %get3A_895 = arith.index_cast %mul3A_808 : i32 to index
          %get3A_896 = tpu.vector_load %arg7[%get3A_894, %get3A_895] {strides = array<i32>} : memref<80x512xf32, #tpu.memory_space<vmem>>, vector<1x16xf32>,
          %get3A_897 = vector.shape_cast %get3A_896 : vector<1x16xf32> to vector<16xf32>
          %mul3A_898 = arith.mulf %get3A_897, %get3A_811 : vector<16xf32>
          %add3A_899 = arith.addf %scan3A_801, %mul3A_898 : vector<16xf32>
          %add3A_900 = arith.constant 11 : i32
          %add3A_901 = arith.addi %mul3A_607, %add3A_900 : i32
          %get3A_902 = arith.index_cast %add3A_901 : i32 to index
          %get3A_903 = arith.index_cast %mul3A_808 : i32 to index
          %get3A_904 = tpu.vector_load %arg7[%get3A_902, %get3A_903] {strides = array<i32>} : memref<80x512xf32, #tpu.memory_space<vmem>>, vector<1x16xf32>,
          %get3A_905 = vector.shape_cast %get3A_904 : vector<1x16xf32> to vector<16xf32>
          %mul3A_906 = arith.mulf %get3A_905, %get3A_811 : vector<16xf32>
          %add3A_907 = arith.addf %scan3A_802, %mul3A_906 : vector<16xf32>
          %add3A_908 = arith.constant 12 : i32
          %add3A_909 = arith.addi %mul3A_607, %add3A_908 : i32
          %get3A_910 = arith.index_cast %add3A_909 : i32 to index
          %get3A_911 = arith.index_cast %mul3A_808 : i32 to index
          %get3A_912 = tpu.vector_load %arg7[%get3A_910, %get3A_911] {strides = array<i32>} : memref<80x512xf32, #tpu.memory_space<vmem>>, vector<1x16xf32>,
          %get3A_913 = vector.shape_cast %get3A_912 : vector<1x16xf32> to vector<16xf32>
          %mul3A_914 = arith.mulf %get3A_913, %get3A_811 : vector<16xf32>
          %add3A_915 = arith.addf %scan3A_803, %mul3A_914 : vector<16xf32>
          %add3A_916 = arith.constant 13 : i32
          %add3A_917 = arith.addi %mul3A_607, %add3A_916 : i32
          %get3A_918 = arith.index_cast %add3A_917 : i32 to index
          %get3A_919 = arith.index_cast %mul3A_808 : i32 to index
          %get3A_920 = tpu.vector_load %arg7[%get3A_918, %get3A_919] {strides = array<i32>} : memref<80x512xf32, #tpu.memory_space<vmem>>, vector<1x16xf32>,
          %get3A_921 = vector.shape_cast %get3A_920 : vector<1x16xf32> to vector<16xf32>
          %mul3A_922 = arith.mulf %get3A_921, %get3A_811 : vector<16xf32>
          %add3A_923 = arith.addf %scan3A_804, %mul3A_922 : vector<16xf32>
          %add3A_924 = arith.constant 14 : i32
          %add3A_925 = arith.addi %mul3A_607, %add3A_924 : i32
          %get3A_926 = arith.index_cast %add3A_925 : i32 to index
          %get3A_927 = arith.index_cast %mul3A_808 : i32 to index
          %get3A_928 = tpu.vector_load %arg7[%get3A_926, %get3A_927] {strides = array<i32>} : memref<80x512xf32, #tpu.memory_space<vmem>>, vector<1x16xf32>,
          %get3A_929 = vector.shape_cast %get3A_928 : vector<1x16xf32> to vector<16xf32>
          %mul3A_930 = arith.mulf %get3A_929, %get3A_811 : vector<16xf32>
          %add3A_931 = arith.addf %scan3A_805, %mul3A_930 : vector<16xf32>
          %add3A_932 = arith.constant 15 : i32
          %add3A_933 = arith.addi %mul3A_607, %add3A_932 : i32
          %get3A_934 = arith.index_cast %add3A_933 : i32 to index
          %get3A_935 = arith.index_cast %mul3A_808 : i32 to index
          %get3A_936 = tpu.vector_load %arg7[%get3A_934, %get3A_935] {strides = array<i32>} : memref<80x512xf32, #tpu.memory_space<vmem>>, vector<1x16xf32>,
          %get3A_937 = vector.shape_cast %get3A_936 : vector<1x16xf32> to vector<16xf32>
          %mul3A_938 = arith.mulf %get3A_937, %get3A_811 : vector<16xf32>
          %add3A_939 = arith.addf %scan3A_806, %mul3A_938 : vector<16xf32>
          %scan3A_940 = arith.constant 1 : i32
          %scan3A_941 = arith.addi %scan3A_790, %scan3A_940 : i32
          %mul3A_942 = arith.constant 16 : i32
          %mul3A_943 = arith.muli %scan3A_941, %mul3A_942 : i32
          %get3A_944 = arith.index_cast %mul3A_943 : i32 to index
          %get3A_945 = tpu.vector_load %arg6[%get3A_944] {strides = array<i32>} : memref<512xf32, #tpu.memory_space<vmem>>, vector<16xf32>,
          %get3A_946 = vector.shape_cast %get3A_945 : vector<16xf32> to vector<16xf32>
          %add3A_947 = arith.constant 0 : i32
          %add3A_948 = arith.addi %mul3A_607, %add3A_947 : i32
          %get3A_949 = arith.index_cast %add3A_948 : i32 to index
          %get3A_950 = arith.index_cast %mul3A_943 : i32 to index
          %get3A_951 = tpu.vector_load %arg7[%get3A_949, %get3A_950] {strides = array<i32>} : memref<80x512xf32, #tpu.memory_space<vmem>>, vector<1x16xf32>,
          %get3A_952 = vector.shape_cast %get3A_951 : vector<1x16xf32> to vector<16xf32>
          %mul3A_953 = arith.mulf %get3A_952, %get3A_946 : vector<16xf32>
          %add3A_954 = arith.addf %add3A_819, %mul3A_953 : vector<16xf32>
          %add3A_955 = arith.constant 1 : i32
          %add3A_956 = arith.addi %mul3A_607, %add3A_955 : i32
          %get3A_957 = arith.index_cast %add3A_956 : i32 to index
          %get3A_958 = arith.index_cast %mul3A_943 : i32 to index
          %get3A_959 = tpu.vector_load %arg7[%get3A_957, %get3A_958] {strides = array<i32>} : memref<80x512xf32, #tpu.memory_space<vmem>>, vector<1x16xf32>,
          %get3A_960 = vector.shape_cast %get3A_959 : vector<1x16xf32> to vector<16xf32>
          %mul3A_961 = arith.mulf %get3A_960, %get3A_946 : vector<16xf32>
          %add3A_962 = arith.addf %add3A_827, %mul3A_961 : vector<16xf32>
          %add3A_963 = arith.constant 2 : i32
          %add3A_964 = arith.addi %mul3A_607, %add3A_963 : i32
          %get3A_965 = arith.index_cast %add3A_964 : i32 to index
          %get3A_966 = arith.index_cast %mul3A_943 : i32 to index
          %get3A_967 = tpu.vector_load %arg7[%get3A_965, %get3A_966] {strides = array<i32>} : memref<80x512xf32, #tpu.memory_space<vmem>>, vector<1x16xf32>,
          %get3A_968 = vector.shape_cast %get3A_967 : vector<1x16xf32> to vector<16xf32>
          %mul3A_969 = arith.mulf %get3A_968, %get3A_946 : vector<16xf32>
          %add3A_970 = arith.addf %add3A_835, %mul3A_969 : vector<16xf32>
          %add3A_971 = arith.constant 3 : i32
          %add3A_972 = arith.addi %mul3A_607, %add3A_971 : i32
          %get3A_973 = arith.index_cast %add3A_972 : i32 to index
          %get3A_974 = arith.index_cast %mul3A_943 : i32 to index
          %get3A_975 = tpu.vector_load %arg7[%get3A_973, %get3A_974] {strides = array<i32>} : memref<80x512xf32, #tpu.memory_space<vmem>>, vector<1x16xf32>,
          %get3A_976 = vector.shape_cast %get3A_975 : vector<1x16xf32> to vector<16xf32>
          %mul3A_977 = arith.mulf %get3A_976, %get3A_946 : vector<16xf32>
          %add3A_978 = arith.addf %add3A_843, %mul3A_977 : vector<16xf32>
          %add3A_979 = arith.constant 4 : i32
          %add3A_980 = arith.addi %mul3A_607, %add3A_979 : i32
          %get3A_981 = arith.index_cast %add3A_980 : i32 to index
          %get3A_982 = arith.index_cast %mul3A_943 : i32 to index
          %get3A_983 = tpu.vector_load %arg7[%get3A_981, %get3A_982] {strides = array<i32>} : memref<80x512xf32, #tpu.memory_space<vmem>>, vector<1x16xf32>,
          %get3A_984 = vector.shape_cast %get3A_983 : vector<1x16xf32> to vector<16xf32>
          %mul3A_985 = arith.mulf %get3A_984, %get3A_946 : vector<16xf32>
          %add3A_986 = arith.addf %add3A_851, %mul3A_985 : vector<16xf32>
          %add3A_987 = arith.constant 5 : i32
          %add3A_988 = arith.addi %mul3A_607, %add3A_987 : i32
          %get3A_989 = arith.index_cast %add3A_988 : i32 to index
          %get3A_990 = arith.index_cast %mul3A_943 : i32 to index
          %get3A_991 = tpu.vector_load %arg7[%get3A_989, %get3A_990] {strides = array<i32>} : memref<80x512xf32, #tpu.memory_space<vmem>>, vector<1x16xf32>,
          %get3A_992 = vector.shape_cast %get3A_991 : vector<1x16xf32> to vector<16xf32>
          %mul3A_993 = arith.mulf %get3A_992, %get3A_946 : vector<16xf32>
          %add3A_994 = arith.addf %add3A_859, %mul3A_993 : vector<16xf32>
          %add3A_995 = arith.constant 6 : i32
          %add3A_996 = arith.addi %mul3A_607, %add3A_995 : i32
          %get3A_997 = arith.index_cast %add3A_996 : i32 to index
          %get3A_998 = arith.index_cast %mul3A_943 : i32 to index
          %get3A_999 = tpu.vector_load %arg7[%get3A_997, %get3A_998] {strides = array<i32>} : memref<80x512xf32, #tpu.memory_space<vmem>>, vector<1x16xf32>,
          %get3A_1000 = vector.shape_cast %get3A_999 : vector<1x16xf32> to vector<16xf32>
          %mul3A_1001 = arith.mulf %get3A_1000, %get3A_946 : vector<16xf32>
          %add3A_1002 = arith.addf %add3A_867, %mul3A_1001 : vector<16xf32>
          %add3A_1003 = arith.constant 7 : i32
          %add3A_1004 = arith.addi %mul3A_607, %add3A_1003 : i32
          %get3A_1005 = arith.index_cast %add3A_1004 : i32 to index
          %get3A_1006 = arith.index_cast %mul3A_943 : i32 to index
          %get3A_1007 = tpu.vector_load %arg7[%get3A_1005, %get3A_1006] {strides = array<i32>} : memref<80x512xf32, #tpu.memory_space<vmem>>, vector<1x16xf32>,
          %get3A_1008 = vector.shape_cast %get3A_1007 : vector<1x16xf32> to vector<16xf32>
          %mul3A_1009 = arith.mulf %get3A_1008, %get3A_946 : vector<16xf32>
          %add3A_1010 = arith.addf %add3A_875, %mul3A_1009 : vector<16xf32>
          %add3A_1011 = arith.constant 8 : i32
          %add3A_1012 = arith.addi %mul3A_607, %add3A_1011 : i32
          %get3A_1013 = arith.index_cast %add3A_1012 : i32 to index
          %get3A_1014 = arith.index_cast %mul3A_943 : i32 to index
          %get3A_1015 = tpu.vector_load %arg7[%get3A_1013, %get3A_1014] {strides = array<i32>} : memref<80x512xf32, #tpu.memory_space<vmem>>, vector<1x16xf32>,
          %get3A_1016 = vector.shape_cast %get3A_1015 : vector<1x16xf32> to vector<16xf32>
          %mul3A_1017 = arith.mulf %get3A_1016, %get3A_946 : vector<16xf32>
          %add3A_1018 = arith.addf %add3A_883, %mul3A_1017 : vector<16xf32>
          %add3A_1019 = arith.constant 9 : i32
          %add3A_1020 = arith.addi %mul3A_607, %add3A_1019 : i32
          %get3A_1021 = arith.index_cast %add3A_1020 : i32 to index
          %get3A_1022 = arith.index_cast %mul3A_943 : i32 to index
          %get3A_1023 = tpu.vector_load %arg7[%get3A_1021, %get3A_1022] {strides = array<i32>} : memref<80x512xf32, #tpu.memory_space<vmem>>, vector<1x16xf32>,
          %get3A_1024 = vector.shape_cast %get3A_1023 : vector<1x16xf32> to vector<16xf32>
          %mul3A_1025 = arith.mulf %get3A_1024, %get3A_946 : vector<16xf32>
          %add3A_1026 = arith.addf %add3A_891, %mul3A_1025 : vector<16xf32>
          %add3A_1027 = arith.constant 10 : i32
          %add3A_1028 = arith.addi %mul3A_607, %add3A_1027 : i32
          %get3A_1029 = arith.index_cast %add3A_1028 : i32 to index
          %get3A_1030 = arith.index_cast %mul3A_943 : i32 to index
          %get3A_1031 = tpu.vector_load %arg7[%get3A_1029, %get3A_1030] {strides = array<i32>} : memref<80x512xf32, #tpu.memory_space<vmem>>, vector<1x16xf32>,
          %get3A_1032 = vector.shape_cast %get3A_1031 : vector<1x16xf32> to vector<16xf32>
          %mul3A_1033 = arith.mulf %get3A_1032, %get3A_946 : vector<16xf32>
          %add3A_1034 = arith.addf %add3A_899, %mul3A_1033 : vector<16xf32>
          %add3A_1035 = arith.constant 11 : i32
          %add3A_1036 = arith.addi %mul3A_607, %add3A_1035 : i32
          %get3A_1037 = arith.index_cast %add3A_1036 : i32 to index
          %get3A_1038 = arith.index_cast %mul3A_943 : i32 to index
          %get3A_1039 = tpu.vector_load %arg7[%get3A_1037, %get3A_1038] {strides = array<i32>} : memref<80x512xf32, #tpu.memory_space<vmem>>, vector<1x16xf32>,
          %get3A_1040 = vector.shape_cast %get3A_1039 : vector<1x16xf32> to vector<16xf32>
          %mul3A_1041 = arith.mulf %get3A_1040, %get3A_946 : vector<16xf32>
          %add3A_1042 = arith.addf %add3A_907, %mul3A_1041 : vector<16xf32>
          %add3A_1043 = arith.constant 12 : i32
          %add3A_1044 = arith.addi %mul3A_607, %add3A_1043 : i32
          %get3A_1045 = arith.index_cast %add3A_1044 : i32 to index
          %get3A_1046 = arith.index_cast %mul3A_943 : i32 to index
          %get3A_1047 = tpu.vector_load %arg7[%get3A_1045, %get3A_1046] {strides = array<i32>} : memref<80x512xf32, #tpu.memory_space<vmem>>, vector<1x16xf32>,
          %get3A_1048 = vector.shape_cast %get3A_1047 : vector<1x16xf32> to vector<16xf32>
          %mul3A_1049 = arith.mulf %get3A_1048, %get3A_946 : vector<16xf32>
          %add3A_1050 = arith.addf %add3A_915, %mul3A_1049 : vector<16xf32>
          %add3A_1051 = arith.constant 13 : i32
          %add3A_1052 = arith.addi %mul3A_607, %add3A_1051 : i32
          %get3A_1053 = arith.index_cast %add3A_1052 : i32 to index
          %get3A_1054 = arith.index_cast %mul3A_943 : i32 to index
          %get3A_1055 = tpu.vector_load %arg7[%get3A_1053, %get3A_1054] {strides = array<i32>} : memref<80x512xf32, #tpu.memory_space<vmem>>, vector<1x16xf32>,
          %get3A_1056 = vector.shape_cast %get3A_1055 : vector<1x16xf32> to vector<16xf32>
          %mul3A_1057 = arith.mulf %get3A_1056, %get3A_946 : vector<16xf32>
          %add3A_1058 = arith.addf %add3A_923, %mul3A_1057 : vector<16xf32>
          %add3A_1059 = arith.constant 14 : i32
          %add3A_1060 = arith.addi %mul3A_607, %add3A_1059 : i32
          %get3A_1061 = arith.index_cast %add3A_1060 : i32 to index
          %get3A_1062 = arith.index_cast %mul3A_943 : i32 to index
          %get3A_1063 = tpu.vector_load %arg7[%get3A_1061, %get3A_1062] {strides = array<i32>} : memref<80x512xf32, #tpu.memory_space<vmem>>, vector<1x16xf32>,
          %get3A_1064 = vector.shape_cast %get3A_1063 : vector<1x16xf32> to vector<16xf32>
          %mul3A_1065 = arith.mulf %get3A_1064, %get3A_946 : vector<16xf32>
          %add3A_1066 = arith.addf %add3A_931, %mul3A_1065 : vector<16xf32>
          %add3A_1067 = arith.constant 15 : i32
          %add3A_1068 = arith.addi %mul3A_607, %add3A_1067 : i32
          %get3A_1069 = arith.index_cast %add3A_1068 : i32 to index
          %get3A_1070 = arith.index_cast %mul3A_943 : i32 to index
          %get3A_1071 = tpu.vector_load %arg7[%get3A_1069, %get3A_1070] {strides = array<i32>} : memref<80x512xf32, #tpu.memory_space<vmem>>, vector<1x16xf32>,
          %get3A_1072 = vector.shape_cast %get3A_1071 : vector<1x16xf32> to vector<16xf32>
          %mul3A_1073 = arith.mulf %get3A_1072, %get3A_946 : vector<16xf32>
          %add3A_1074 = arith.addf %add3A_939, %mul3A_1073 : vector<16xf32>
          scf.yield %add3A_954, %add3A_962, %add3A_970, %add3A_978, %add3A_986, %add3A_994, %add3A_1002, %add3A_1010, %add3A_1018, %add3A_1026, %add3A_1034, %add3A_1042, %add3A_1050, %add3A_1058, %add3A_1066, %add3A_1074 : vector<16xf32>, vector<16xf32>, vector<16xf32>, vector<16xf32>, vector<16xf32>, vector<16xf32>, vector<16xf32>, vector<16xf32>, vector<16xf32>, vector<16xf32>, vector<16xf32>, vector<16xf32>, vector<16xf32>, vector<16xf32>, vector<16xf32>, vector<16xf32>
        }
        %scan3A_645 = arith.constant 32 : i32
        %broadcast_in_dim3A_646 = vector.shape_cast %xor3A_2 : vector<16xi32> to vector<16x1xi32>
        %gather3A_647 = vector.shape_cast %broadcast_in_dim3A_646 : vector<16x1xi32> to vector<16xi32>
        %gather3A_648 = tpu.dynamic_gather %scan3A_644#0[%gather3A_647] in [0] : vector<16xf32>, vector<16xi32> -> vector<16xf32>
        %add3A_649 = arith.addf %scan3A_644#0, %gather3A_648 : vector<16xf32>
        %broadcast_in_dim3A_650 = vector.shape_cast %xor3A_2 : vector<16xi32> to vector<16x1xi32>
        %gather3A_651 = vector.shape_cast %broadcast_in_dim3A_650 : vector<16x1xi32> to vector<16xi32>
        %gather3A_652 = tpu.dynamic_gather %scan3A_644#1[%gather3A_651] in [0] : vector<16xf32>, vector<16xi32> -> vector<16xf32>
        %add3A_653 = arith.addf %scan3A_644#1, %gather3A_652 : vector<16xf32>
        %select_n3A = arith.select %eq3A_15, %add3A_649, %add3A_653 : vector<16xi1>, vector<16xf32>
        %broadcast_in_dim3A_654 = vector.shape_cast %xor3A_2 : vector<16xi32> to vector<16x1xi32>
        %gather3A_655 = vector.shape_cast %broadcast_in_dim3A_654 : vector<16x1xi32> to vector<16xi32>
        %gather3A_656 = tpu.dynamic_gather %scan3A_644#2[%gather3A_655] in [0] : vector<16xf32>, vector<16xi32> -> vector<16xf32>
        %add3A_657 = arith.addf %scan3A_644#2, %gather3A_656 : vector<16xf32>
        %broadcast_in_dim3A_658 = vector.shape_cast %xor3A_2 : vector<16xi32> to vector<16x1xi32>
        %gather3A_659 = vector.shape_cast %broadcast_in_dim3A_658 : vector<16x1xi32> to vector<16xi32>
        %gather3A_660 = tpu.dynamic_gather %scan3A_644#3[%gather3A_659] in [0] : vector<16xf32>, vector<16xi32> -> vector<16xf32>
        %add3A_661 = arith.addf %scan3A_644#3, %gather3A_660 : vector<16xf32>
        %select_n3A_662 = arith.select %eq3A_15, %add3A_657, %add3A_661 : vector<16xi1>, vector<16xf32>
        %broadcast_in_dim3A_663 = vector.shape_cast %xor3A_2 : vector<16xi32> to vector<16x1xi32>
        %gather3A_664 = vector.shape_cast %broadcast_in_dim3A_663 : vector<16x1xi32> to vector<16xi32>
        %gather3A_665 = tpu.dynamic_gather %scan3A_644#4[%gather3A_664] in [0] : vector<16xf32>, vector<16xi32> -> vector<16xf32>
        %add3A_666 = arith.addf %scan3A_644#4, %gather3A_665 : vector<16xf32>
        %broadcast_in_dim3A_667 = vector.shape_cast %xor3A_2 : vector<16xi32> to vector<16x1xi32>
        %gather3A_668 = vector.shape_cast %broadcast_in_dim3A_667 : vector<16x1xi32> to vector<16xi32>
        %gather3A_669 = tpu.dynamic_gather %scan3A_644#5[%gather3A_668] in [0] : vector<16xf32>, vector<16xi32> -> vector<16xf32>
        %add3A_670 = arith.addf %scan3A_644#5, %gather3A_669 : vector<16xf32>
        %select_n3A_671 = arith.select %eq3A_15, %add3A_666, %add3A_670 : vector<16xi1>, vector<16xf32>
        %broadcast_in_dim3A_672 = vector.shape_cast %xor3A_2 : vector<16xi32> to vector<16x1xi32>
        %gather3A_673 = vector.shape_cast %broadcast_in_dim3A_672 : vector<16x1xi32> to vector<16xi32>
        %gather3A_674 = tpu.dynamic_gather %scan3A_644#6[%gather3A_673] in [0] : vector<16xf32>, vector<16xi32> -> vector<16xf32>
        %add3A_675 = arith.addf %scan3A_644#6, %gather3A_674 : vector<16xf32>
        %broadcast_in_dim3A_676 = vector.shape_cast %xor3A_2 : vector<16xi32> to vector<16x1xi32>
        %gather3A_677 = vector.shape_cast %broadcast_in_dim3A_676 : vector<16x1xi32> to vector<16xi32>
        %gather3A_678 = tpu.dynamic_gather %scan3A_644#7[%gather3A_677] in [0] : vector<16xf32>, vector<16xi32> -> vector<16xf32>
        %add3A_679 = arith.addf %scan3A_644#7, %gather3A_678 : vector<16xf32>
        %select_n3A_680 = arith.select %eq3A_15, %add3A_675, %add3A_679 : vector<16xi1>, vector<16xf32>
        %broadcast_in_dim3A_681 = vector.shape_cast %xor3A_2 : vector<16xi32> to vector<16x1xi32>
        %gather3A_682 = vector.shape_cast %broadcast_in_dim3A_681 : vector<16x1xi32> to vector<16xi32>
        %gather3A_683 = tpu.dynamic_gather %scan3A_644#8[%gather3A_682] in [0] : vector<16xf32>, vector<16xi32> -> vector<16xf32>
        %add3A_684 = arith.addf %scan3A_644#8, %gather3A_683 : vector<16xf32>
        %broadcast_in_dim3A_685 = vector.shape_cast %xor3A_2 : vector<16xi32> to vector<16x1xi32>
        %gather3A_686 = vector.shape_cast %broadcast_in_dim3A_685 : vector<16x1xi32> to vector<16xi32>
        %gather3A_687 = tpu.dynamic_gather %scan3A_644#9[%gather3A_686] in [0] : vector<16xf32>, vector<16xi32> -> vector<16xf32>
        %add3A_688 = arith.addf %scan3A_644#9, %gather3A_687 : vector<16xf32>
        %select_n3A_689 = arith.select %eq3A_15, %add3A_684, %add3A_688 : vector<16xi1>, vector<16xf32>
        %broadcast_in_dim3A_690 = vector.shape_cast %xor3A_2 : vector<16xi32> to vector<16x1xi32>
        %gather3A_691 = vector.shape_cast %broadcast_in_dim3A_690 : vector<16x1xi32> to vector<16xi32>
        %gather3A_692 = tpu.dynamic_gather %scan3A_644#10[%gather3A_691] in [0] : vector<16xf32>, vector<16xi32> -> vector<16xf32>
        %add3A_693 = arith.addf %scan3A_644#10, %gather3A_692 : vector<16xf32>
        %broadcast_in_dim3A_694 = vector.shape_cast %xor3A_2 : vector<16xi32> to vector<16x1xi32>
        %gather3A_695 = vector.shape_cast %broadcast_in_dim3A_694 : vector<16x1xi32> to vector<16xi32>
        %gather3A_696 = tpu.dynamic_gather %scan3A_644#11[%gather3A_695] in [0] : vector<16xf32>, vector<16xi32> -> vector<16xf32>
        %add3A_697 = arith.addf %scan3A_644#11, %gather3A_696 : vector<16xf32>
        %select_n3A_698 = arith.select %eq3A_15, %add3A_693, %add3A_697 : vector<16xi1>, vector<16xf32>
        %broadcast_in_dim3A_699 = vector.shape_cast %xor3A_2 : vector<16xi32> to vector<16x1xi32>
        %gather3A_700 = vector.shape_cast %broadcast_in_dim3A_699 : vector<16x1xi32> to vector<16xi32>
        %gather3A_701 = tpu.dynamic_gather %scan3A_644#12[%gather3A_700] in [0] : vector<16xf32>, vector<16xi32> -> vector<16xf32>
        %add3A_702 = arith.addf %scan3A_644#12, %gather3A_701 : vector<16xf32>
        %broadcast_in_dim3A_703 = vector.shape_cast %xor3A_2 : vector<16xi32> to vector<16x1xi32>
        %gather3A_704 = vector.shape_cast %broadcast_in_dim3A_703 : vector<16x1xi32> to vector<16xi32>
        %gather3A_705 = tpu.dynamic_gather %scan3A_644#13[%gather3A_704] in [0] : vector<16xf32>, vector<16xi32> -> vector<16xf32>
        %add3A_706 = arith.addf %scan3A_644#13, %gather3A_705 : vector<16xf32>
        %select_n3A_707 = arith.select %eq3A_15, %add3A_702, %add3A_706 : vector<16xi1>, vector<16xf32>
        %broadcast_in_dim3A_708 = vector.shape_cast %xor3A_2 : vector<16xi32> to vector<16x1xi32>
        %gather3A_709 = vector.shape_cast %broadcast_in_dim3A_708 : vector<16x1xi32> to vector<16xi32>
        %gather3A_710 = tpu.dynamic_gather %scan3A_644#14[%gather3A_709] in [0] : vector<16xf32>, vector<16xi32> -> vector<16xf32>
        %add3A_711 = arith.addf %scan3A_644#14, %gather3A_710 : vector<16xf32>
        %broadcast_in_dim3A_712 = vector.shape_cast %xor3A_2 : vector<16xi32> to vector<16x1xi32>
        %gather3A_713 = vector.shape_cast %broadcast_in_dim3A_712 : vector<16x1xi32> to vector<16xi32>
        %gather3A_714 = tpu.dynamic_gather %scan3A_644#15[%gather3A_713] in [0] : vector<16xf32>, vector<16xi32> -> vector<16xf32>
        %add3A_715 = arith.addf %scan3A_644#15, %gather3A_714 : vector<16xf32>
        %select_n3A_716 = arith.select %eq3A_15, %add3A_711, %add3A_715 : vector<16xi1>, vector<16xf32>
        %broadcast_in_dim3A_717 = vector.shape_cast %xor3A_5 : vector<16xi32> to vector<16x1xi32>
        %gather3A_718 = vector.shape_cast %broadcast_in_dim3A_717 : vector<16x1xi32> to vector<16xi32>
        %gather3A_719 = tpu.dynamic_gather %select_n3A[%gather3A_718] in [0] : vector<16xf32>, vector<16xi32> -> vector<16xf32>
        %add3A_720 = arith.addf %select_n3A, %gather3A_719 : vector<16xf32>
        %broadcast_in_dim3A_721 = vector.shape_cast %xor3A_5 : vector<16xi32> to vector<16x1xi32>
        %gather3A_722 = vector.shape_cast %broadcast_in_dim3A_721 : vector<16x1xi32> to vector<16xi32>
        %gather3A_723 = tpu.dynamic_gather %select_n3A_662[%gather3A_722] in [0] : vector<16xf32>, vector<16xi32> -> vector<16xf32>
        %add3A_724 = arith.addf %select_n3A_662, %gather3A_723 : vector<16xf32>
        %select_n3A_725 = arith.select %eq3A_21, %add3A_720, %add3A_724 : vector<16xi1>, vector<16xf32>
        %broadcast_in_dim3A_726 = vector.shape_cast %xor3A_5 : vector<16xi32> to vector<16x1xi32>
        %gather3A_727 = vector.shape_cast %broadcast_in_dim3A_726 : vector<16x1xi32> to vector<16xi32>
        %gather3A_728 = tpu.dynamic_gather %select_n3A_671[%gather3A_727] in [0] : vector<16xf32>, vector<16xi32> -> vector<16xf32>
        %add3A_729 = arith.addf %select_n3A_671, %gather3A_728 : vector<16xf32>
        %broadcast_in_dim3A_730 = vector.shape_cast %xor3A_5 : vector<16xi32> to vector<16x1xi32>
        %gather3A_731 = vector.shape_cast %broadcast_in_dim3A_730 : vector<16x1xi32> to vector<16xi32>
        %gather3A_732 = tpu.dynamic_gather %select_n3A_680[%gather3A_731] in [0] : vector<16xf32>, vector<16xi32> -> vector<16xf32>
        %add3A_733 = arith.addf %select_n3A_680, %gather3A_732 : vector<16xf32>
        %select_n3A_734 = arith.select %eq3A_21, %add3A_729, %add3A_733 : vector<16xi1>, vector<16xf32>
        %broadcast_in_dim3A_735 = vector.shape_cast %xor3A_5 : vector<16xi32> to vector<16x1xi32>
        %gather3A_736 = vector.shape_cast %broadcast_in_dim3A_735 : vector<16x1xi32> to vector<16xi32>
        %gather3A_737 = tpu.dynamic_gather %select_n3A_689[%gather3A_736] in [0] : vector<16xf32>, vector<16xi32> -> vector<16xf32>
        %add3A_738 = arith.addf %select_n3A_689, %gather3A_737 : vector<16xf32>
        %broadcast_in_dim3A_739 = vector.shape_cast %xor3A_5 : vector<16xi32> to vector<16x1xi32>
        %gather3A_740 = vector.shape_cast %broadcast_in_dim3A_739 : vector<16x1xi32> to vector<16xi32>
        %gather3A_741 = tpu.dynamic_gather %select_n3A_698[%gather3A_740] in [0] : vector<16xf32>, vector<16xi32> -> vector<16xf32>
        %add3A_742 = arith.addf %select_n3A_698, %gather3A_741 : vector<16xf32>
        %select_n3A_743 = arith.select %eq3A_21, %add3A_738, %add3A_742 : vector<16xi1>, vector<16xf32>
        %broadcast_in_dim3A_744 = vector.shape_cast %xor3A_5 : vector<16xi32> to vector<16x1xi32>
        %gather3A_745 = vector.shape_cast %broadcast_in_dim3A_744 : vector<16x1xi32> to vector<16xi32>
        %gather3A_746 = tpu.dynamic_gather %select_n3A_707[%gather3A_745] in [0] : vector<16xf32>, vector<16xi32> -> vector<16xf32>
        %add3A_747 = arith.addf %select_n3A_707, %gather3A_746 : vector<16xf32>
        %broadcast_in_dim3A_748 = vector.shape_cast %xor3A_5 : vector<16xi32> to vector<16x1xi32>
        %gather3A_749 = vector.shape_cast %broadcast_in_dim3A_748 : vector<16x1xi32> to vector<16xi32>
        %gather3A_750 = tpu.dynamic_gather %select_n3A_716[%gather3A_749] in [0] : vector<16xf32>, vector<16xi32> -> vector<16xf32>
        %add3A_751 = arith.addf %select_n3A_716, %gather3A_750 : vector<16xf32>
        %select_n3A_752 = arith.select %eq3A_21, %add3A_747, %add3A_751 : vector<16xi1>, vector<16xf32>
        %broadcast_in_dim3A_753 = vector.shape_cast %xor3A_8 : vector<16xi32> to vector<16x1xi32>
        %gather3A_754 = vector.shape_cast %broadcast_in_dim3A_753 : vector<16x1xi32> to vector<16xi32>
        %gather3A_755 = tpu.dynamic_gather %select_n3A_725[%gather3A_754] in [0] : vector<16xf32>, vector<16xi32> -> vector<16xf32>
        %add3A_756 = arith.addf %select_n3A_725, %gather3A_755 : vector<16xf32>
        %broadcast_in_dim3A_757 = vector.shape_cast %xor3A_8 : vector<16xi32> to vector<16x1xi32>
        %gather3A_758 = vector.shape_cast %broadcast_in_dim3A_757 : vector<16x1xi32> to vector<16xi32>
        %gather3A_759 = tpu.dynamic_gather %select_n3A_734[%gather3A_758] in [0] : vector<16xf32>, vector<16xi32> -> vector<16xf32>
        %add3A_760 = arith.addf %select_n3A_734, %gather3A_759 : vector<16xf32>
        %select_n3A_761 = arith.select %eq3A_27, %add3A_756, %add3A_760 : vector<16xi1>, vector<16xf32>
        %broadcast_in_dim3A_762 = vector.shape_cast %xor3A_8 : vector<16xi32> to vector<16x1xi32>
        %gather3A_763 = vector.shape_cast %broadcast_in_dim3A_762 : vector<16x1xi32> to vector<16xi32>
        %gather3A_764 = tpu.dynamic_gather %select_n3A_743[%gather3A_763] in [0] : vector<16xf32>, vector<16xi32> -> vector<16xf32>
        %add3A_765 = arith.addf %select_n3A_743, %gather3A_764 : vector<16xf32>
        %broadcast_in_dim3A_766 = vector.shape_cast %xor3A_8 : vector<16xi32> to vector<16x1xi32>
        %gather3A_767 = vector.shape_cast %broadcast_in_dim3A_766 : vector<16x1xi32> to vector<16xi32>
        %gather3A_768 = tpu.dynamic_gather %select_n3A_752[%gather3A_767] in [0] : vector<16xf32>, vector<16xi32> -> vector<16xf32>
        %add3A_769 = arith.addf %select_n3A_752, %gather3A_768 : vector<16xf32>
        %select_n3A_770 = arith.select %eq3A_27, %add3A_765, %add3A_769 : vector<16xi1>, vector<16xf32>
        %broadcast_in_dim3A_771 = vector.shape_cast %xor3A_11 : vector<16xi32> to vector<16x1xi32>
        %gather3A_772 = vector.shape_cast %broadcast_in_dim3A_771 : vector<16x1xi32> to vector<16xi32>
        %gather3A_773 = tpu.dynamic_gather %select_n3A_761[%gather3A_772] in [0] : vector<16xf32>, vector<16xi32> -> vector<16xf32>
        %add3A_774 = arith.addf %select_n3A_761, %gather3A_773 : vector<16xf32>
        %broadcast_in_dim3A_775 = vector.shape_cast %xor3A_11 : vector<16xi32> to vector<16x1xi32>
        %gather3A_776 = vector.shape_cast %broadcast_in_dim3A_775 : vector<16x1xi32> to vector<16xi32>
        %gather3A_777 = tpu.dynamic_gather %select_n3A_770[%gather3A_776] in [0] : vector<16xf32>, vector<16xi32> -> vector<16xf32>
        %add3A_778 = arith.addf %select_n3A_770, %gather3A_777 : vector<16xf32>
        %select_n3A_779 = arith.select %eq3A_33, %add3A_774, %add3A_778 : vector<16xi1>, vector<16xf32>
        %le3A = arith.cmpf ole, %select_n3A_779, %sub3A_497 : vector<16xf32>
        %jit3A = arith.constant 1.000000e+00 : f32
        %jit3A_780 = arith.constant 0.000000e+00 : f32
        %broadcast_in_dim3A_781 = vector.broadcast %jit3A : f32 to vector<16xf32>
        %broadcast_in_dim3A_782 = vector.broadcast %jit3A_780 : f32 to vector<16xf32>
        %select_n3A_783 = arith.select %le3A, %broadcast_in_dim3A_781, %broadcast_in_dim3A_782 : vector<16xi1>, vector<16xf32>
        %mul3A_784 = arith.constant 16 : i32
        %mul3A_785 = arith.muli %scan3A_605, %mul3A_784 : i32
        %swap3A_786 = arith.index_cast %mul3A_785 : i32 to index
        %swap3A_787 = tpu.vector_load %arg9[%swap3A_786] {strides = array<i32>} : memref<80xf32, #tpu.memory_space<vmem>>, vector<16xf32>,
        %swap3A_788 = vector.shape_cast %swap3A_787 : vector<16xf32> to vector<16xf32>
        %swap3A_789 = vector.shape_cast %select_n3A_783 : vector<16xf32> to vector<16xf32>
        tpu.vector_store %arg9[%swap3A_786], %swap3A_789 {strides = array<i32>} : memref<80xf32, #tpu.memory_space<vmem>>, vector<16xf32>,
      }
      %scan3A_559 = arith.constant 5 : i32
      %mul3A_560 = arith.constant 80 : i32
      %mul3A_561 = arith.muli %min3A_545, %mul3A_560 : i32
      %dma_start3A_562 = tpu.memref_slice %arg4[%mul3A_561] : memref<56000xf32, #tpu.memory_space<hbm>> -> memref<80xf32, #tpu.memory_space<hbm>>
      %dma_start3A_563 = tpu.memref_slice %arg4[%mul3A_561] : memref<56000xf32, #tpu.memory_space<hbm>> -> memref<80xf32, #tpu.memory_space<hbm>>
      tpu.enqueue_dma source(%arg9 : memref<80xf32, #tpu.memory_space<vmem>>) target(%dma_start3A_563 : memref<80xf32, #tpu.memory_space<hbm>>) target_semaphore(%arg13 : memref<!tpu.dma_semaphore, #tpu.memory_space<semaphore_mem>>)
      %add3A_564 = arith.constant 2 : i32
      %add3A_565 = arith.addi %add3A_540, %add3A_564 : i32
      %lt3A = arith.constant 22 : i32
      %lt3A_566 = arith.cmpi slt, %add3A_565, %lt3A : i32
      %convert_element_type3A_567 = arith.extui %lt3A_566 : i1 to i32
      %cond3A_568 = arith.constant 0 : i32
      %cond3A_569 = arith.cmpi ne, %convert_element_type3A_567, %cond3A_568 : i32
      scf.if %cond3A_569 {
        %add3A_605 = arith.constant 2 : i32
        %add3A_606 = arith.addi %add3A_540, %add3A_605 : i32
        %mul3A_607 = arith.constant 32 : i32
        %mul3A_608 = arith.muli %add3A_606, %mul3A_607 : i32
        %add3A_609 = arith.addi %add3A, %mul3A_608 : i32
        %min3A_610 = arith.constant 699 : i32
        %min3A_611 = arith.minsi %add3A_609, %min3A_610 : i32
        %mul3A_612 = arith.constant 80 : i32
        %mul3A_613 = arith.muli %min3A_611, %mul3A_612 : i32
        %dma_start3A_614 = arith.constant 0 : i32
        %dma_start3A_615 = tpu.memref_slice %arg3[%mul3A_613, %dma_start3A_614] : memref<100000x512xf32, #tpu.memory_space<hbm>> -> memref<80x512xf32, #tpu.memory_space<hbm>>
        %dma_start3A_616 = arith.constant 0 : i32
        %dma_start3A_617 = tpu.memref_slice %arg3[%mul3A_613, %dma_start3A_616] : memref<100000x512xf32, #tpu.memory_space<hbm>> -> memref<80x512xf32, #tpu.memory_space<hbm>>
        tpu.enqueue_dma source(%dma_start3A_617 : memref<80x512xf32, #tpu.memory_space<hbm>>) target(%arg7 : memref<80x512xf32, #tpu.memory_space<vmem>>) target_semaphore(%arg11 : memref<!tpu.dma_semaphore, #tpu.memory_space<semaphore_mem>>)
      } else {
      }
      %add3A_570 = arith.constant 1 : i32
      %add3A_571 = arith.addi %mul3A_538, %add3A_570 : i32
      %mul3A_572 = arith.constant 32 : i32
      %mul3A_573 = arith.muli %add3A_571, %mul3A_572 : i32
      %add3A_574 = arith.addi %add3A, %mul3A_573 : i32
      %min3A_575 = arith.constant 699 : i32
      %min3A_576 = arith.minsi %add3A_574, %min3A_575 : i32
      %mul3A_577 = arith.constant 80 : i32
      %mul3A_578 = arith.muli %min3A_576, %mul3A_577 : i32
      %dma_wait3A_579 = arith.constant 0 : i32
      %dma_wait3A_580 = tpu.memref_slice %arg3[%mul3A_578, %dma_wait3A_579] : memref<100000x512xf32, #tpu.memory_space<hbm>> -> memref<80x512xf32, #tpu.memory_space<hbm>>
      %dma_wait3A_581 = arith.constant 0 : i32
      %dma_wait3A_582 = tpu.memref_slice %arg3[%mul3A_578, %dma_wait3A_581] : memref<100000x512xf32, #tpu.memory_space<hbm>> -> memref<80x512xf32, #tpu.memory_space<hbm>>
      tpu.wait_dma2 semaphore(%arg12 : memref<!tpu.dma_semaphore, #tpu.memory_space<semaphore_mem>>) src(%dma_wait3A_582 : memref<80x512xf32, #tpu.memory_space<hbm>>) dst(%arg8 : memref<80x512xf32, #tpu.memory_space<vmem>>)
      %ge3A_583 = arith.constant 2 : i32
      %ge3A_584 = arith.cmpi sge, %add3A_571, %ge3A_583 : i32
      %convert_element_type3A_585 = arith.extui %ge3A_584 : i1 to i32
      %cond3A_586 = arith.constant 0 : i32
      %cond3A_587 = arith.cmpi ne, %convert_element_type3A_585, %cond3A_586 : i32
      scf.if %cond3A_587 {
        %sub3A_605 = arith.constant 2 : i32
        %sub3A_606 = arith.subi %add3A_571, %sub3A_605 : i32
        %mul3A_607 = arith.constant 32 : i32
        %mul3A_608 = arith.muli %sub3A_606, %mul3A_607 : i32
        %add3A_609 = arith.addi %add3A, %mul3A_608 : i32
        %min3A_610 = arith.constant 699 : i32
        %min3A_611 = arith.minsi %add3A_609, %min3A_610 : i32
        %mul3A_612 = arith.constant 80 : i32
        %mul3A_613 = arith.muli %min3A_611, %mul3A_612 : i32
        %dma_wait3A_614 = tpu.memref_slice %arg4[%mul3A_613] : memref<56000xf32, #tpu.memory_space<hbm>> -> memref<80xf32, #tpu.memory_space<hbm>>
        %dma_wait3A_615 = tpu.memref_slice %arg4[%mul3A_613] : memref<56000xf32, #tpu.memory_space<hbm>> -> memref<80xf32, #tpu.memory_space<hbm>>
        tpu.wait_dma2 semaphore(%arg14 : memref<!tpu.dma_semaphore, #tpu.memory_space<semaphore_mem>>) src(%arg10 : memref<80xf32, #tpu.memory_space<vmem>>) dst(%dma_wait3A_615 : memref<80xf32, #tpu.memory_space<hbm>>)
      } else {
      }
      %scan3A_588 = arith.constant 0 : i32
      %scan3A_589 = arith.constant 0 : i32
      %scan3A_590 = arith.constant 5 : i32
      %scan3A_591 = arith.addi %scan3A_589, %scan3A_590 : i32
      %scan3A_592 = arith.constant 1 : i32
      scf.for %scan3A_605 = %scan3A_589 to %scan3A_591 step %scan3A_592  : i32 {
        %mul3A_606 = arith.constant 16 : i32
        %mul3A_607 = arith.muli %scan3A_605, %mul3A_606 : i32
        %broadcast_in_dim3A_608 = arith.constant 0.000000e+00 : f32
        %broadcast_in_dim3A_609 = vector.broadcast %broadcast_in_dim3A_608 : f32 to vector<16xf32>
        %broadcast_in_dim3A_610 = arith.constant 0.000000e+00 : f32
        %broadcast_in_dim3A_611 = vector.broadcast %broadcast_in_dim3A_610 : f32 to vector<16xf32>
        %broadcast_in_dim3A_612 = arith.constant 0.000000e+00 : f32
        %broadcast_in_dim3A_613 = vector.broadcast %broadcast_in_dim3A_612 : f32 to vector<16xf32>
        %broadcast_in_dim3A_614 = arith.constant 0.000000e+00 : f32
        %broadcast_in_dim3A_615 = vector.broadcast %broadcast_in_dim3A_614 : f32 to vector<16xf32>
        %broadcast_in_dim3A_616 = arith.constant 0.000000e+00 : f32
        %broadcast_in_dim3A_617 = vector.broadcast %broadcast_in_dim3A_616 : f32 to vector<16xf32>
        %broadcast_in_dim3A_618 = arith.constant 0.000000e+00 : f32
        %broadcast_in_dim3A_619 = vector.broadcast %broadcast_in_dim3A_618 : f32 to vector<16xf32>
        %broadcast_in_dim3A_620 = arith.constant 0.000000e+00 : f32
        %broadcast_in_dim3A_621 = vector.broadcast %broadcast_in_dim3A_620 : f32 to vector<16xf32>
        %broadcast_in_dim3A_622 = arith.constant 0.000000e+00 : f32
        %broadcast_in_dim3A_623 = vector.broadcast %broadcast_in_dim3A_622 : f32 to vector<16xf32>
        %broadcast_in_dim3A_624 = arith.constant 0.000000e+00 : f32
        %broadcast_in_dim3A_625 = vector.broadcast %broadcast_in_dim3A_624 : f32 to vector<16xf32>
        %broadcast_in_dim3A_626 = arith.constant 0.000000e+00 : f32
        %broadcast_in_dim3A_627 = vector.broadcast %broadcast_in_dim3A_626 : f32 to vector<16xf32>
        %broadcast_in_dim3A_628 = arith.constant 0.000000e+00 : f32
        %broadcast_in_dim3A_629 = vector.broadcast %broadcast_in_dim3A_628 : f32 to vector<16xf32>
        %broadcast_in_dim3A_630 = arith.constant 0.000000e+00 : f32
        %broadcast_in_dim3A_631 = vector.broadcast %broadcast_in_dim3A_630 : f32 to vector<16xf32>
        %broadcast_in_dim3A_632 = arith.constant 0.000000e+00 : f32
        %broadcast_in_dim3A_633 = vector.broadcast %broadcast_in_dim3A_632 : f32 to vector<16xf32>
        %broadcast_in_dim3A_634 = arith.constant 0.000000e+00 : f32
        %broadcast_in_dim3A_635 = vector.broadcast %broadcast_in_dim3A_634 : f32 to vector<16xf32>
        %broadcast_in_dim3A_636 = arith.constant 0.000000e+00 : f32
        %broadcast_in_dim3A_637 = vector.broadcast %broadcast_in_dim3A_636 : f32 to vector<16xf32>
        %broadcast_in_dim3A_638 = arith.constant 0.000000e+00 : f32
        %broadcast_in_dim3A_639 = vector.broadcast %broadcast_in_dim3A_638 : f32 to vector<16xf32>
        %scan3A_640 = arith.constant 0 : i32
        %scan3A_641 = arith.constant 32 : i32
        %scan3A_642 = arith.addi %scan3A_640, %scan3A_641 : i32
        %scan3A_643 = arith.constant 2 : i32
        %scan3A_644:16 = scf.for %scan3A_790 = %scan3A_640 to %scan3A_642 step %scan3A_643 iter_args(%scan3A_791 = %broadcast_in_dim3A_609, %scan3A_792 = %broadcast_in_dim3A_611, %scan3A_793 = %broadcast_in_dim3A_613, %scan3A_794 = %broadcast_in_dim3A_615, %scan3A_795 = %broadcast_in_dim3A_617, %scan3A_796 = %broadcast_in_dim3A_619, %scan3A_797 = %broadcast_in_dim3A_621, %scan3A_798 = %broadcast_in_dim3A_623, %scan3A_799 = %broadcast_in_dim3A_625, %scan3A_800 = %broadcast_in_dim3A_627, %scan3A_801 = %broadcast_in_dim3A_629, %scan3A_802 = %broadcast_in_dim3A_631, %scan3A_803 = %broadcast_in_dim3A_633, %scan3A_804 = %broadcast_in_dim3A_635, %scan3A_805 = %broadcast_in_dim3A_637, %scan3A_806 = %broadcast_in_dim3A_639) -> (vector<16xf32>, vector<16xf32>, vector<16xf32>, vector<16xf32>, vector<16xf32>, vector<16xf32>, vector<16xf32>, vector<16xf32>, vector<16xf32>, vector<16xf32>, vector<16xf32>, vector<16xf32>, vector<16xf32>, vector<16xf32>, vector<16xf32>, vector<16xf32>)  : i32 {
          %mul3A_807 = arith.constant 16 : i32
          %mul3A_808 = arith.muli %scan3A_790, %mul3A_807 : i32
          %get3A_809 = arith.index_cast %mul3A_808 : i32 to index
          %get3A_810 = tpu.vector_load %arg6[%get3A_809] {strides = array<i32>} : memref<512xf32, #tpu.memory_space<vmem>>, vector<16xf32>,
          %get3A_811 = vector.shape_cast %get3A_810 : vector<16xf32> to vector<16xf32>
          %add3A_812 = arith.constant 0 : i32
          %add3A_813 = arith.addi %mul3A_607, %add3A_812 : i32
          %get3A_814 = arith.index_cast %add3A_813 : i32 to index
          %get3A_815 = arith.index_cast %mul3A_808 : i32 to index
          %get3A_816 = tpu.vector_load %arg8[%get3A_814, %get3A_815] {strides = array<i32>} : memref<80x512xf32, #tpu.memory_space<vmem>>, vector<1x16xf32>,
          %get3A_817 = vector.shape_cast %get3A_816 : vector<1x16xf32> to vector<16xf32>
          %mul3A_818 = arith.mulf %get3A_817, %get3A_811 : vector<16xf32>
          %add3A_819 = arith.addf %scan3A_791, %mul3A_818 : vector<16xf32>
          %add3A_820 = arith.constant 1 : i32
          %add3A_821 = arith.addi %mul3A_607, %add3A_820 : i32
          %get3A_822 = arith.index_cast %add3A_821 : i32 to index
          %get3A_823 = arith.index_cast %mul3A_808 : i32 to index
          %get3A_824 = tpu.vector_load %arg8[%get3A_822, %get3A_823] {strides = array<i32>} : memref<80x512xf32, #tpu.memory_space<vmem>>, vector<1x16xf32>,
          %get3A_825 = vector.shape_cast %get3A_824 : vector<1x16xf32> to vector<16xf32>
          %mul3A_826 = arith.mulf %get3A_825, %get3A_811 : vector<16xf32>
          %add3A_827 = arith.addf %scan3A_792, %mul3A_826 : vector<16xf32>
          %add3A_828 = arith.constant 2 : i32
          %add3A_829 = arith.addi %mul3A_607, %add3A_828 : i32
          %get3A_830 = arith.index_cast %add3A_829 : i32 to index
          %get3A_831 = arith.index_cast %mul3A_808 : i32 to index
          %get3A_832 = tpu.vector_load %arg8[%get3A_830, %get3A_831] {strides = array<i32>} : memref<80x512xf32, #tpu.memory_space<vmem>>, vector<1x16xf32>,
          %get3A_833 = vector.shape_cast %get3A_832 : vector<1x16xf32> to vector<16xf32>
          %mul3A_834 = arith.mulf %get3A_833, %get3A_811 : vector<16xf32>
          %add3A_835 = arith.addf %scan3A_793, %mul3A_834 : vector<16xf32>
          %add3A_836 = arith.constant 3 : i32
          %add3A_837 = arith.addi %mul3A_607, %add3A_836 : i32
          %get3A_838 = arith.index_cast %add3A_837 : i32 to index
          %get3A_839 = arith.index_cast %mul3A_808 : i32 to index
          %get3A_840 = tpu.vector_load %arg8[%get3A_838, %get3A_839] {strides = array<i32>} : memref<80x512xf32, #tpu.memory_space<vmem>>, vector<1x16xf32>,
          %get3A_841 = vector.shape_cast %get3A_840 : vector<1x16xf32> to vector<16xf32>
          %mul3A_842 = arith.mulf %get3A_841, %get3A_811 : vector<16xf32>
          %add3A_843 = arith.addf %scan3A_794, %mul3A_842 : vector<16xf32>
          %add3A_844 = arith.constant 4 : i32
          %add3A_845 = arith.addi %mul3A_607, %add3A_844 : i32
          %get3A_846 = arith.index_cast %add3A_845 : i32 to index
          %get3A_847 = arith.index_cast %mul3A_808 : i32 to index
          %get3A_848 = tpu.vector_load %arg8[%get3A_846, %get3A_847] {strides = array<i32>} : memref<80x512xf32, #tpu.memory_space<vmem>>, vector<1x16xf32>,
          %get3A_849 = vector.shape_cast %get3A_848 : vector<1x16xf32> to vector<16xf32>
          %mul3A_850 = arith.mulf %get3A_849, %get3A_811 : vector<16xf32>
          %add3A_851 = arith.addf %scan3A_795, %mul3A_850 : vector<16xf32>
          %add3A_852 = arith.constant 5 : i32
          %add3A_853 = arith.addi %mul3A_607, %add3A_852 : i32
          %get3A_854 = arith.index_cast %add3A_853 : i32 to index
          %get3A_855 = arith.index_cast %mul3A_808 : i32 to index
          %get3A_856 = tpu.vector_load %arg8[%get3A_854, %get3A_855] {strides = array<i32>} : memref<80x512xf32, #tpu.memory_space<vmem>>, vector<1x16xf32>,
          %get3A_857 = vector.shape_cast %get3A_856 : vector<1x16xf32> to vector<16xf32>
          %mul3A_858 = arith.mulf %get3A_857, %get3A_811 : vector<16xf32>
          %add3A_859 = arith.addf %scan3A_796, %mul3A_858 : vector<16xf32>
          %add3A_860 = arith.constant 6 : i32
          %add3A_861 = arith.addi %mul3A_607, %add3A_860 : i32
          %get3A_862 = arith.index_cast %add3A_861 : i32 to index
          %get3A_863 = arith.index_cast %mul3A_808 : i32 to index
          %get3A_864 = tpu.vector_load %arg8[%get3A_862, %get3A_863] {strides = array<i32>} : memref<80x512xf32, #tpu.memory_space<vmem>>, vector<1x16xf32>,
          %get3A_865 = vector.shape_cast %get3A_864 : vector<1x16xf32> to vector<16xf32>
          %mul3A_866 = arith.mulf %get3A_865, %get3A_811 : vector<16xf32>
          %add3A_867 = arith.addf %scan3A_797, %mul3A_866 : vector<16xf32>
          %add3A_868 = arith.constant 7 : i32
          %add3A_869 = arith.addi %mul3A_607, %add3A_868 : i32
          %get3A_870 = arith.index_cast %add3A_869 : i32 to index
          %get3A_871 = arith.index_cast %mul3A_808 : i32 to index
          %get3A_872 = tpu.vector_load %arg8[%get3A_870, %get3A_871] {strides = array<i32>} : memref<80x512xf32, #tpu.memory_space<vmem>>, vector<1x16xf32>,
          %get3A_873 = vector.shape_cast %get3A_872 : vector<1x16xf32> to vector<16xf32>
          %mul3A_874 = arith.mulf %get3A_873, %get3A_811 : vector<16xf32>
          %add3A_875 = arith.addf %scan3A_798, %mul3A_874 : vector<16xf32>
          %add3A_876 = arith.constant 8 : i32
          %add3A_877 = arith.addi %mul3A_607, %add3A_876 : i32
          %get3A_878 = arith.index_cast %add3A_877 : i32 to index
          %get3A_879 = arith.index_cast %mul3A_808 : i32 to index
          %get3A_880 = tpu.vector_load %arg8[%get3A_878, %get3A_879] {strides = array<i32>} : memref<80x512xf32, #tpu.memory_space<vmem>>, vector<1x16xf32>,
          %get3A_881 = vector.shape_cast %get3A_880 : vector<1x16xf32> to vector<16xf32>
          %mul3A_882 = arith.mulf %get3A_881, %get3A_811 : vector<16xf32>
          %add3A_883 = arith.addf %scan3A_799, %mul3A_882 : vector<16xf32>
          %add3A_884 = arith.constant 9 : i32
          %add3A_885 = arith.addi %mul3A_607, %add3A_884 : i32
          %get3A_886 = arith.index_cast %add3A_885 : i32 to index
          %get3A_887 = arith.index_cast %mul3A_808 : i32 to index
          %get3A_888 = tpu.vector_load %arg8[%get3A_886, %get3A_887] {strides = array<i32>} : memref<80x512xf32, #tpu.memory_space<vmem>>, vector<1x16xf32>,
          %get3A_889 = vector.shape_cast %get3A_888 : vector<1x16xf32> to vector<16xf32>
          %mul3A_890 = arith.mulf %get3A_889, %get3A_811 : vector<16xf32>
          %add3A_891 = arith.addf %scan3A_800, %mul3A_890 : vector<16xf32>
          %add3A_892 = arith.constant 10 : i32
          %add3A_893 = arith.addi %mul3A_607, %add3A_892 : i32
          %get3A_894 = arith.index_cast %add3A_893 : i32 to index
          %get3A_895 = arith.index_cast %mul3A_808 : i32 to index
          %get3A_896 = tpu.vector_load %arg8[%get3A_894, %get3A_895] {strides = array<i32>} : memref<80x512xf32, #tpu.memory_space<vmem>>, vector<1x16xf32>,
          %get3A_897 = vector.shape_cast %get3A_896 : vector<1x16xf32> to vector<16xf32>
          %mul3A_898 = arith.mulf %get3A_897, %get3A_811 : vector<16xf32>
          %add3A_899 = arith.addf %scan3A_801, %mul3A_898 : vector<16xf32>
          %add3A_900 = arith.constant 11 : i32
          %add3A_901 = arith.addi %mul3A_607, %add3A_900 : i32
          %get3A_902 = arith.index_cast %add3A_901 : i32 to index
          %get3A_903 = arith.index_cast %mul3A_808 : i32 to index
          %get3A_904 = tpu.vector_load %arg8[%get3A_902, %get3A_903] {strides = array<i32>} : memref<80x512xf32, #tpu.memory_space<vmem>>, vector<1x16xf32>,
          %get3A_905 = vector.shape_cast %get3A_904 : vector<1x16xf32> to vector<16xf32>
          %mul3A_906 = arith.mulf %get3A_905, %get3A_811 : vector<16xf32>
          %add3A_907 = arith.addf %scan3A_802, %mul3A_906 : vector<16xf32>
          %add3A_908 = arith.constant 12 : i32
          %add3A_909 = arith.addi %mul3A_607, %add3A_908 : i32
          %get3A_910 = arith.index_cast %add3A_909 : i32 to index
          %get3A_911 = arith.index_cast %mul3A_808 : i32 to index
          %get3A_912 = tpu.vector_load %arg8[%get3A_910, %get3A_911] {strides = array<i32>} : memref<80x512xf32, #tpu.memory_space<vmem>>, vector<1x16xf32>,
          %get3A_913 = vector.shape_cast %get3A_912 : vector<1x16xf32> to vector<16xf32>
          %mul3A_914 = arith.mulf %get3A_913, %get3A_811 : vector<16xf32>
          %add3A_915 = arith.addf %scan3A_803, %mul3A_914 : vector<16xf32>
          %add3A_916 = arith.constant 13 : i32
          %add3A_917 = arith.addi %mul3A_607, %add3A_916 : i32
          %get3A_918 = arith.index_cast %add3A_917 : i32 to index
          %get3A_919 = arith.index_cast %mul3A_808 : i32 to index
          %get3A_920 = tpu.vector_load %arg8[%get3A_918, %get3A_919] {strides = array<i32>} : memref<80x512xf32, #tpu.memory_space<vmem>>, vector<1x16xf32>,
          %get3A_921 = vector.shape_cast %get3A_920 : vector<1x16xf32> to vector<16xf32>
          %mul3A_922 = arith.mulf %get3A_921, %get3A_811 : vector<16xf32>
          %add3A_923 = arith.addf %scan3A_804, %mul3A_922 : vector<16xf32>
          %add3A_924 = arith.constant 14 : i32
          %add3A_925 = arith.addi %mul3A_607, %add3A_924 : i32
          %get3A_926 = arith.index_cast %add3A_925 : i32 to index
          %get3A_927 = arith.index_cast %mul3A_808 : i32 to index
          %get3A_928 = tpu.vector_load %arg8[%get3A_926, %get3A_927] {strides = array<i32>} : memref<80x512xf32, #tpu.memory_space<vmem>>, vector<1x16xf32>,
          %get3A_929 = vector.shape_cast %get3A_928 : vector<1x16xf32> to vector<16xf32>
          %mul3A_930 = arith.mulf %get3A_929, %get3A_811 : vector<16xf32>
          %add3A_931 = arith.addf %scan3A_805, %mul3A_930 : vector<16xf32>
          %add3A_932 = arith.constant 15 : i32
          %add3A_933 = arith.addi %mul3A_607, %add3A_932 : i32
          %get3A_934 = arith.index_cast %add3A_933 : i32 to index
          %get3A_935 = arith.index_cast %mul3A_808 : i32 to index
          %get3A_936 = tpu.vector_load %arg8[%get3A_934, %get3A_935] {strides = array<i32>} : memref<80x512xf32, #tpu.memory_space<vmem>>, vector<1x16xf32>,
          %get3A_937 = vector.shape_cast %get3A_936 : vector<1x16xf32> to vector<16xf32>
          %mul3A_938 = arith.mulf %get3A_937, %get3A_811 : vector<16xf32>
          %add3A_939 = arith.addf %scan3A_806, %mul3A_938 : vector<16xf32>
          %scan3A_940 = arith.constant 1 : i32
          %scan3A_941 = arith.addi %scan3A_790, %scan3A_940 : i32
          %mul3A_942 = arith.constant 16 : i32
          %mul3A_943 = arith.muli %scan3A_941, %mul3A_942 : i32
          %get3A_944 = arith.index_cast %mul3A_943 : i32 to index
          %get3A_945 = tpu.vector_load %arg6[%get3A_944] {strides = array<i32>} : memref<512xf32, #tpu.memory_space<vmem>>, vector<16xf32>,
          %get3A_946 = vector.shape_cast %get3A_945 : vector<16xf32> to vector<16xf32>
          %add3A_947 = arith.constant 0 : i32
          %add3A_948 = arith.addi %mul3A_607, %add3A_947 : i32
          %get3A_949 = arith.index_cast %add3A_948 : i32 to index
          %get3A_950 = arith.index_cast %mul3A_943 : i32 to index
          %get3A_951 = tpu.vector_load %arg8[%get3A_949, %get3A_950] {strides = array<i32>} : memref<80x512xf32, #tpu.memory_space<vmem>>, vector<1x16xf32>,
          %get3A_952 = vector.shape_cast %get3A_951 : vector<1x16xf32> to vector<16xf32>
          %mul3A_953 = arith.mulf %get3A_952, %get3A_946 : vector<16xf32>
          %add3A_954 = arith.addf %add3A_819, %mul3A_953 : vector<16xf32>
          %add3A_955 = arith.constant 1 : i32
          %add3A_956 = arith.addi %mul3A_607, %add3A_955 : i32
          %get3A_957 = arith.index_cast %add3A_956 : i32 to index
          %get3A_958 = arith.index_cast %mul3A_943 : i32 to index
          %get3A_959 = tpu.vector_load %arg8[%get3A_957, %get3A_958] {strides = array<i32>} : memref<80x512xf32, #tpu.memory_space<vmem>>, vector<1x16xf32>,
          %get3A_960 = vector.shape_cast %get3A_959 : vector<1x16xf32> to vector<16xf32>
          %mul3A_961 = arith.mulf %get3A_960, %get3A_946 : vector<16xf32>
          %add3A_962 = arith.addf %add3A_827, %mul3A_961 : vector<16xf32>
          %add3A_963 = arith.constant 2 : i32
          %add3A_964 = arith.addi %mul3A_607, %add3A_963 : i32
          %get3A_965 = arith.index_cast %add3A_964 : i32 to index
          %get3A_966 = arith.index_cast %mul3A_943 : i32 to index
          %get3A_967 = tpu.vector_load %arg8[%get3A_965, %get3A_966] {strides = array<i32>} : memref<80x512xf32, #tpu.memory_space<vmem>>, vector<1x16xf32>,
          %get3A_968 = vector.shape_cast %get3A_967 : vector<1x16xf32> to vector<16xf32>
          %mul3A_969 = arith.mulf %get3A_968, %get3A_946 : vector<16xf32>
          %add3A_970 = arith.addf %add3A_835, %mul3A_969 : vector<16xf32>
          %add3A_971 = arith.constant 3 : i32
          %add3A_972 = arith.addi %mul3A_607, %add3A_971 : i32
          %get3A_973 = arith.index_cast %add3A_972 : i32 to index
          %get3A_974 = arith.index_cast %mul3A_943 : i32 to index
          %get3A_975 = tpu.vector_load %arg8[%get3A_973, %get3A_974] {strides = array<i32>} : memref<80x512xf32, #tpu.memory_space<vmem>>, vector<1x16xf32>,
          %get3A_976 = vector.shape_cast %get3A_975 : vector<1x16xf32> to vector<16xf32>
          %mul3A_977 = arith.mulf %get3A_976, %get3A_946 : vector<16xf32>
          %add3A_978 = arith.addf %add3A_843, %mul3A_977 : vector<16xf32>
          %add3A_979 = arith.constant 4 : i32
          %add3A_980 = arith.addi %mul3A_607, %add3A_979 : i32
          %get3A_981 = arith.index_cast %add3A_980 : i32 to index
          %get3A_982 = arith.index_cast %mul3A_943 : i32 to index
          %get3A_983 = tpu.vector_load %arg8[%get3A_981, %get3A_982] {strides = array<i32>} : memref<80x512xf32, #tpu.memory_space<vmem>>, vector<1x16xf32>,
          %get3A_984 = vector.shape_cast %get3A_983 : vector<1x16xf32> to vector<16xf32>
          %mul3A_985 = arith.mulf %get3A_984, %get3A_946 : vector<16xf32>
          %add3A_986 = arith.addf %add3A_851, %mul3A_985 : vector<16xf32>
          %add3A_987 = arith.constant 5 : i32
          %add3A_988 = arith.addi %mul3A_607, %add3A_987 : i32
          %get3A_989 = arith.index_cast %add3A_988 : i32 to index
          %get3A_990 = arith.index_cast %mul3A_943 : i32 to index
          %get3A_991 = tpu.vector_load %arg8[%get3A_989, %get3A_990] {strides = array<i32>} : memref<80x512xf32, #tpu.memory_space<vmem>>, vector<1x16xf32>,
          %get3A_992 = vector.shape_cast %get3A_991 : vector<1x16xf32> to vector<16xf32>
          %mul3A_993 = arith.mulf %get3A_992, %get3A_946 : vector<16xf32>
          %add3A_994 = arith.addf %add3A_859, %mul3A_993 : vector<16xf32>
          %add3A_995 = arith.constant 6 : i32
          %add3A_996 = arith.addi %mul3A_607, %add3A_995 : i32
          %get3A_997 = arith.index_cast %add3A_996 : i32 to index
          %get3A_998 = arith.index_cast %mul3A_943 : i32 to index
          %get3A_999 = tpu.vector_load %arg8[%get3A_997, %get3A_998] {strides = array<i32>} : memref<80x512xf32, #tpu.memory_space<vmem>>, vector<1x16xf32>,
          %get3A_1000 = vector.shape_cast %get3A_999 : vector<1x16xf32> to vector<16xf32>
          %mul3A_1001 = arith.mulf %get3A_1000, %get3A_946 : vector<16xf32>
          %add3A_1002 = arith.addf %add3A_867, %mul3A_1001 : vector<16xf32>
          %add3A_1003 = arith.constant 7 : i32
          %add3A_1004 = arith.addi %mul3A_607, %add3A_1003 : i32
          %get3A_1005 = arith.index_cast %add3A_1004 : i32 to index
          %get3A_1006 = arith.index_cast %mul3A_943 : i32 to index
          %get3A_1007 = tpu.vector_load %arg8[%get3A_1005, %get3A_1006] {strides = array<i32>} : memref<80x512xf32, #tpu.memory_space<vmem>>, vector<1x16xf32>,
          %get3A_1008 = vector.shape_cast %get3A_1007 : vector<1x16xf32> to vector<16xf32>
          %mul3A_1009 = arith.mulf %get3A_1008, %get3A_946 : vector<16xf32>
          %add3A_1010 = arith.addf %add3A_875, %mul3A_1009 : vector<16xf32>
          %add3A_1011 = arith.constant 8 : i32
          %add3A_1012 = arith.addi %mul3A_607, %add3A_1011 : i32
          %get3A_1013 = arith.index_cast %add3A_1012 : i32 to index
          %get3A_1014 = arith.index_cast %mul3A_943 : i32 to index
          %get3A_1015 = tpu.vector_load %arg8[%get3A_1013, %get3A_1014] {strides = array<i32>} : memref<80x512xf32, #tpu.memory_space<vmem>>, vector<1x16xf32>,
          %get3A_1016 = vector.shape_cast %get3A_1015 : vector<1x16xf32> to vector<16xf32>
          %mul3A_1017 = arith.mulf %get3A_1016, %get3A_946 : vector<16xf32>
          %add3A_1018 = arith.addf %add3A_883, %mul3A_1017 : vector<16xf32>
          %add3A_1019 = arith.constant 9 : i32
          %add3A_1020 = arith.addi %mul3A_607, %add3A_1019 : i32
          %get3A_1021 = arith.index_cast %add3A_1020 : i32 to index
          %get3A_1022 = arith.index_cast %mul3A_943 : i32 to index
          %get3A_1023 = tpu.vector_load %arg8[%get3A_1021, %get3A_1022] {strides = array<i32>} : memref<80x512xf32, #tpu.memory_space<vmem>>, vector<1x16xf32>,
          %get3A_1024 = vector.shape_cast %get3A_1023 : vector<1x16xf32> to vector<16xf32>
          %mul3A_1025 = arith.mulf %get3A_1024, %get3A_946 : vector<16xf32>
          %add3A_1026 = arith.addf %add3A_891, %mul3A_1025 : vector<16xf32>
          %add3A_1027 = arith.constant 10 : i32
          %add3A_1028 = arith.addi %mul3A_607, %add3A_1027 : i32
          %get3A_1029 = arith.index_cast %add3A_1028 : i32 to index
          %get3A_1030 = arith.index_cast %mul3A_943 : i32 to index
          %get3A_1031 = tpu.vector_load %arg8[%get3A_1029, %get3A_1030] {strides = array<i32>} : memref<80x512xf32, #tpu.memory_space<vmem>>, vector<1x16xf32>,
          %get3A_1032 = vector.shape_cast %get3A_1031 : vector<1x16xf32> to vector<16xf32>
          %mul3A_1033 = arith.mulf %get3A_1032, %get3A_946 : vector<16xf32>
          %add3A_1034 = arith.addf %add3A_899, %mul3A_1033 : vector<16xf32>
          %add3A_1035 = arith.constant 11 : i32
          %add3A_1036 = arith.addi %mul3A_607, %add3A_1035 : i32
          %get3A_1037 = arith.index_cast %add3A_1036 : i32 to index
          %get3A_1038 = arith.index_cast %mul3A_943 : i32 to index
          %get3A_1039 = tpu.vector_load %arg8[%get3A_1037, %get3A_1038] {strides = array<i32>} : memref<80x512xf32, #tpu.memory_space<vmem>>, vector<1x16xf32>,
          %get3A_1040 = vector.shape_cast %get3A_1039 : vector<1x16xf32> to vector<16xf32>
          %mul3A_1041 = arith.mulf %get3A_1040, %get3A_946 : vector<16xf32>
          %add3A_1042 = arith.addf %add3A_907, %mul3A_1041 : vector<16xf32>
          %add3A_1043 = arith.constant 12 : i32
          %add3A_1044 = arith.addi %mul3A_607, %add3A_1043 : i32
          %get3A_1045 = arith.index_cast %add3A_1044 : i32 to index
          %get3A_1046 = arith.index_cast %mul3A_943 : i32 to index
          %get3A_1047 = tpu.vector_load %arg8[%get3A_1045, %get3A_1046] {strides = array<i32>} : memref<80x512xf32, #tpu.memory_space<vmem>>, vector<1x16xf32>,
          %get3A_1048 = vector.shape_cast %get3A_1047 : vector<1x16xf32> to vector<16xf32>
          %mul3A_1049 = arith.mulf %get3A_1048, %get3A_946 : vector<16xf32>
          %add3A_1050 = arith.addf %add3A_915, %mul3A_1049 : vector<16xf32>
          %add3A_1051 = arith.constant 13 : i32
          %add3A_1052 = arith.addi %mul3A_607, %add3A_1051 : i32
          %get3A_1053 = arith.index_cast %add3A_1052 : i32 to index
          %get3A_1054 = arith.index_cast %mul3A_943 : i32 to index
          %get3A_1055 = tpu.vector_load %arg8[%get3A_1053, %get3A_1054] {strides = array<i32>} : memref<80x512xf32, #tpu.memory_space<vmem>>, vector<1x16xf32>,
          %get3A_1056 = vector.shape_cast %get3A_1055 : vector<1x16xf32> to vector<16xf32>
          %mul3A_1057 = arith.mulf %get3A_1056, %get3A_946 : vector<16xf32>
          %add3A_1058 = arith.addf %add3A_923, %mul3A_1057 : vector<16xf32>
          %add3A_1059 = arith.constant 14 : i32
          %add3A_1060 = arith.addi %mul3A_607, %add3A_1059 : i32
          %get3A_1061 = arith.index_cast %add3A_1060 : i32 to index
          %get3A_1062 = arith.index_cast %mul3A_943 : i32 to index
          %get3A_1063 = tpu.vector_load %arg8[%get3A_1061, %get3A_1062] {strides = array<i32>} : memref<80x512xf32, #tpu.memory_space<vmem>>, vector<1x16xf32>,
          %get3A_1064 = vector.shape_cast %get3A_1063 : vector<1x16xf32> to vector<16xf32>
          %mul3A_1065 = arith.mulf %get3A_1064, %get3A_946 : vector<16xf32>
          %add3A_1066 = arith.addf %add3A_931, %mul3A_1065 : vector<16xf32>
          %add3A_1067 = arith.constant 15 : i32
          %add3A_1068 = arith.addi %mul3A_607, %add3A_1067 : i32
          %get3A_1069 = arith.index_cast %add3A_1068 : i32 to index
          %get3A_1070 = arith.index_cast %mul3A_943 : i32 to index
          %get3A_1071 = tpu.vector_load %arg8[%get3A_1069, %get3A_1070] {strides = array<i32>} : memref<80x512xf32, #tpu.memory_space<vmem>>, vector<1x16xf32>,
          %get3A_1072 = vector.shape_cast %get3A_1071 : vector<1x16xf32> to vector<16xf32>
          %mul3A_1073 = arith.mulf %get3A_1072, %get3A_946 : vector<16xf32>
          %add3A_1074 = arith.addf %add3A_939, %mul3A_1073 : vector<16xf32>
          scf.yield %add3A_954, %add3A_962, %add3A_970, %add3A_978, %add3A_986, %add3A_994, %add3A_1002, %add3A_1010, %add3A_1018, %add3A_1026, %add3A_1034, %add3A_1042, %add3A_1050, %add3A_1058, %add3A_1066, %add3A_1074 : vector<16xf32>, vector<16xf32>, vector<16xf32>, vector<16xf32>, vector<16xf32>, vector<16xf32>, vector<16xf32>, vector<16xf32>, vector<16xf32>, vector<16xf32>, vector<16xf32>, vector<16xf32>, vector<16xf32>, vector<16xf32>, vector<16xf32>, vector<16xf32>
        }
        %scan3A_645 = arith.constant 32 : i32
        %broadcast_in_dim3A_646 = vector.shape_cast %xor3A_2 : vector<16xi32> to vector<16x1xi32>
        %gather3A_647 = vector.shape_cast %broadcast_in_dim3A_646 : vector<16x1xi32> to vector<16xi32>
        %gather3A_648 = tpu.dynamic_gather %scan3A_644#0[%gather3A_647] in [0] : vector<16xf32>, vector<16xi32> -> vector<16xf32>
        %add3A_649 = arith.addf %scan3A_644#0, %gather3A_648 : vector<16xf32>
        %broadcast_in_dim3A_650 = vector.shape_cast %xor3A_2 : vector<16xi32> to vector<16x1xi32>
        %gather3A_651 = vector.shape_cast %broadcast_in_dim3A_650 : vector<16x1xi32> to vector<16xi32>
        %gather3A_652 = tpu.dynamic_gather %scan3A_644#1[%gather3A_651] in [0] : vector<16xf32>, vector<16xi32> -> vector<16xf32>
        %add3A_653 = arith.addf %scan3A_644#1, %gather3A_652 : vector<16xf32>
        %select_n3A = arith.select %eq3A_15, %add3A_649, %add3A_653 : vector<16xi1>, vector<16xf32>
        %broadcast_in_dim3A_654 = vector.shape_cast %xor3A_2 : vector<16xi32> to vector<16x1xi32>
        %gather3A_655 = vector.shape_cast %broadcast_in_dim3A_654 : vector<16x1xi32> to vector<16xi32>
        %gather3A_656 = tpu.dynamic_gather %scan3A_644#2[%gather3A_655] in [0] : vector<16xf32>, vector<16xi32> -> vector<16xf32>
        %add3A_657 = arith.addf %scan3A_644#2, %gather3A_656 : vector<16xf32>
        %broadcast_in_dim3A_658 = vector.shape_cast %xor3A_2 : vector<16xi32> to vector<16x1xi32>
        %gather3A_659 = vector.shape_cast %broadcast_in_dim3A_658 : vector<16x1xi32> to vector<16xi32>
        %gather3A_660 = tpu.dynamic_gather %scan3A_644#3[%gather3A_659] in [0] : vector<16xf32>, vector<16xi32> -> vector<16xf32>
        %add3A_661 = arith.addf %scan3A_644#3, %gather3A_660 : vector<16xf32>
        %select_n3A_662 = arith.select %eq3A_15, %add3A_657, %add3A_661 : vector<16xi1>, vector<16xf32>
        %broadcast_in_dim3A_663 = vector.shape_cast %xor3A_2 : vector<16xi32> to vector<16x1xi32>
        %gather3A_664 = vector.shape_cast %broadcast_in_dim3A_663 : vector<16x1xi32> to vector<16xi32>
        %gather3A_665 = tpu.dynamic_gather %scan3A_644#4[%gather3A_664] in [0] : vector<16xf32>, vector<16xi32> -> vector<16xf32>
        %add3A_666 = arith.addf %scan3A_644#4, %gather3A_665 : vector<16xf32>
        %broadcast_in_dim3A_667 = vector.shape_cast %xor3A_2 : vector<16xi32> to vector<16x1xi32>
        %gather3A_668 = vector.shape_cast %broadcast_in_dim3A_667 : vector<16x1xi32> to vector<16xi32>
        %gather3A_669 = tpu.dynamic_gather %scan3A_644#5[%gather3A_668] in [0] : vector<16xf32>, vector<16xi32> -> vector<16xf32>
        %add3A_670 = arith.addf %scan3A_644#5, %gather3A_669 : vector<16xf32>
        %select_n3A_671 = arith.select %eq3A_15, %add3A_666, %add3A_670 : vector<16xi1>, vector<16xf32>
        %broadcast_in_dim3A_672 = vector.shape_cast %xor3A_2 : vector<16xi32> to vector<16x1xi32>
        %gather3A_673 = vector.shape_cast %broadcast_in_dim3A_672 : vector<16x1xi32> to vector<16xi32>
        %gather3A_674 = tpu.dynamic_gather %scan3A_644#6[%gather3A_673] in [0] : vector<16xf32>, vector<16xi32> -> vector<16xf32>
        %add3A_675 = arith.addf %scan3A_644#6, %gather3A_674 : vector<16xf32>
        %broadcast_in_dim3A_676 = vector.shape_cast %xor3A_2 : vector<16xi32> to vector<16x1xi32>
        %gather3A_677 = vector.shape_cast %broadcast_in_dim3A_676 : vector<16x1xi32> to vector<16xi32>
        %gather3A_678 = tpu.dynamic_gather %scan3A_644#7[%gather3A_677] in [0] : vector<16xf32>, vector<16xi32> -> vector<16xf32>
        %add3A_679 = arith.addf %scan3A_644#7, %gather3A_678 : vector<16xf32>
        %select_n3A_680 = arith.select %eq3A_15, %add3A_675, %add3A_679 : vector<16xi1>, vector<16xf32>
        %broadcast_in_dim3A_681 = vector.shape_cast %xor3A_2 : vector<16xi32> to vector<16x1xi32>
        %gather3A_682 = vector.shape_cast %broadcast_in_dim3A_681 : vector<16x1xi32> to vector<16xi32>
        %gather3A_683 = tpu.dynamic_gather %scan3A_644#8[%gather3A_682] in [0] : vector<16xf32>, vector<16xi32> -> vector<16xf32>
        %add3A_684 = arith.addf %scan3A_644#8, %gather3A_683 : vector<16xf32>
        %broadcast_in_dim3A_685 = vector.shape_cast %xor3A_2 : vector<16xi32> to vector<16x1xi32>
        %gather3A_686 = vector.shape_cast %broadcast_in_dim3A_685 : vector<16x1xi32> to vector<16xi32>
        %gather3A_687 = tpu.dynamic_gather %scan3A_644#9[%gather3A_686] in [0] : vector<16xf32>, vector<16xi32> -> vector<16xf32>
        %add3A_688 = arith.addf %scan3A_644#9, %gather3A_687 : vector<16xf32>
        %select_n3A_689 = arith.select %eq3A_15, %add3A_684, %add3A_688 : vector<16xi1>, vector<16xf32>
        %broadcast_in_dim3A_690 = vector.shape_cast %xor3A_2 : vector<16xi32> to vector<16x1xi32>
        %gather3A_691 = vector.shape_cast %broadcast_in_dim3A_690 : vector<16x1xi32> to vector<16xi32>
        %gather3A_692 = tpu.dynamic_gather %scan3A_644#10[%gather3A_691] in [0] : vector<16xf32>, vector<16xi32> -> vector<16xf32>
        %add3A_693 = arith.addf %scan3A_644#10, %gather3A_692 : vector<16xf32>
        %broadcast_in_dim3A_694 = vector.shape_cast %xor3A_2 : vector<16xi32> to vector<16x1xi32>
        %gather3A_695 = vector.shape_cast %broadcast_in_dim3A_694 : vector<16x1xi32> to vector<16xi32>
        %gather3A_696 = tpu.dynamic_gather %scan3A_644#11[%gather3A_695] in [0] : vector<16xf32>, vector<16xi32> -> vector<16xf32>
        %add3A_697 = arith.addf %scan3A_644#11, %gather3A_696 : vector<16xf32>
        %select_n3A_698 = arith.select %eq3A_15, %add3A_693, %add3A_697 : vector<16xi1>, vector<16xf32>
        %broadcast_in_dim3A_699 = vector.shape_cast %xor3A_2 : vector<16xi32> to vector<16x1xi32>
        %gather3A_700 = vector.shape_cast %broadcast_in_dim3A_699 : vector<16x1xi32> to vector<16xi32>
        %gather3A_701 = tpu.dynamic_gather %scan3A_644#12[%gather3A_700] in [0] : vector<16xf32>, vector<16xi32> -> vector<16xf32>
        %add3A_702 = arith.addf %scan3A_644#12, %gather3A_701 : vector<16xf32>
        %broadcast_in_dim3A_703 = vector.shape_cast %xor3A_2 : vector<16xi32> to vector<16x1xi32>
        %gather3A_704 = vector.shape_cast %broadcast_in_dim3A_703 : vector<16x1xi32> to vector<16xi32>
        %gather3A_705 = tpu.dynamic_gather %scan3A_644#13[%gather3A_704] in [0] : vector<16xf32>, vector<16xi32> -> vector<16xf32>
        %add3A_706 = arith.addf %scan3A_644#13, %gather3A_705 : vector<16xf32>
        %select_n3A_707 = arith.select %eq3A_15, %add3A_702, %add3A_706 : vector<16xi1>, vector<16xf32>
        %broadcast_in_dim3A_708 = vector.shape_cast %xor3A_2 : vector<16xi32> to vector<16x1xi32>
        %gather3A_709 = vector.shape_cast %broadcast_in_dim3A_708 : vector<16x1xi32> to vector<16xi32>
        %gather3A_710 = tpu.dynamic_gather %scan3A_644#14[%gather3A_709] in [0] : vector<16xf32>, vector<16xi32> -> vector<16xf32>
        %add3A_711 = arith.addf %scan3A_644#14, %gather3A_710 : vector<16xf32>
        %broadcast_in_dim3A_712 = vector.shape_cast %xor3A_2 : vector<16xi32> to vector<16x1xi32>
        %gather3A_713 = vector.shape_cast %broadcast_in_dim3A_712 : vector<16x1xi32> to vector<16xi32>
        %gather3A_714 = tpu.dynamic_gather %scan3A_644#15[%gather3A_713] in [0] : vector<16xf32>, vector<16xi32> -> vector<16xf32>
        %add3A_715 = arith.addf %scan3A_644#15, %gather3A_714 : vector<16xf32>
        %select_n3A_716 = arith.select %eq3A_15, %add3A_711, %add3A_715 : vector<16xi1>, vector<16xf32>
        %broadcast_in_dim3A_717 = vector.shape_cast %xor3A_5 : vector<16xi32> to vector<16x1xi32>
        %gather3A_718 = vector.shape_cast %broadcast_in_dim3A_717 : vector<16x1xi32> to vector<16xi32>
        %gather3A_719 = tpu.dynamic_gather %select_n3A[%gather3A_718] in [0] : vector<16xf32>, vector<16xi32> -> vector<16xf32>
        %add3A_720 = arith.addf %select_n3A, %gather3A_719 : vector<16xf32>
        %broadcast_in_dim3A_721 = vector.shape_cast %xor3A_5 : vector<16xi32> to vector<16x1xi32>
        %gather3A_722 = vector.shape_cast %broadcast_in_dim3A_721 : vector<16x1xi32> to vector<16xi32>
        %gather3A_723 = tpu.dynamic_gather %select_n3A_662[%gather3A_722] in [0] : vector<16xf32>, vector<16xi32> -> vector<16xf32>
        %add3A_724 = arith.addf %select_n3A_662, %gather3A_723 : vector<16xf32>
        %select_n3A_725 = arith.select %eq3A_21, %add3A_720, %add3A_724 : vector<16xi1>, vector<16xf32>
        %broadcast_in_dim3A_726 = vector.shape_cast %xor3A_5 : vector<16xi32> to vector<16x1xi32>
        %gather3A_727 = vector.shape_cast %broadcast_in_dim3A_726 : vector<16x1xi32> to vector<16xi32>
        %gather3A_728 = tpu.dynamic_gather %select_n3A_671[%gather3A_727] in [0] : vector<16xf32>, vector<16xi32> -> vector<16xf32>
        %add3A_729 = arith.addf %select_n3A_671, %gather3A_728 : vector<16xf32>
        %broadcast_in_dim3A_730 = vector.shape_cast %xor3A_5 : vector<16xi32> to vector<16x1xi32>
        %gather3A_731 = vector.shape_cast %broadcast_in_dim3A_730 : vector<16x1xi32> to vector<16xi32>
        %gather3A_732 = tpu.dynamic_gather %select_n3A_680[%gather3A_731] in [0] : vector<16xf32>, vector<16xi32> -> vector<16xf32>
        %add3A_733 = arith.addf %select_n3A_680, %gather3A_732 : vector<16xf32>
        %select_n3A_734 = arith.select %eq3A_21, %add3A_729, %add3A_733 : vector<16xi1>, vector<16xf32>
        %broadcast_in_dim3A_735 = vector.shape_cast %xor3A_5 : vector<16xi32> to vector<16x1xi32>
        %gather3A_736 = vector.shape_cast %broadcast_in_dim3A_735 : vector<16x1xi32> to vector<16xi32>
        %gather3A_737 = tpu.dynamic_gather %select_n3A_689[%gather3A_736] in [0] : vector<16xf32>, vector<16xi32> -> vector<16xf32>
        %add3A_738 = arith.addf %select_n3A_689, %gather3A_737 : vector<16xf32>
        %broadcast_in_dim3A_739 = vector.shape_cast %xor3A_5 : vector<16xi32> to vector<16x1xi32>
        %gather3A_740 = vector.shape_cast %broadcast_in_dim3A_739 : vector<16x1xi32> to vector<16xi32>
        %gather3A_741 = tpu.dynamic_gather %select_n3A_698[%gather3A_740] in [0] : vector<16xf32>, vector<16xi32> -> vector<16xf32>
        %add3A_742 = arith.addf %select_n3A_698, %gather3A_741 : vector<16xf32>
        %select_n3A_743 = arith.select %eq3A_21, %add3A_738, %add3A_742 : vector<16xi1>, vector<16xf32>
        %broadcast_in_dim3A_744 = vector.shape_cast %xor3A_5 : vector<16xi32> to vector<16x1xi32>
        %gather3A_745 = vector.shape_cast %broadcast_in_dim3A_744 : vector<16x1xi32> to vector<16xi32>
        %gather3A_746 = tpu.dynamic_gather %select_n3A_707[%gather3A_745] in [0] : vector<16xf32>, vector<16xi32> -> vector<16xf32>
        %add3A_747 = arith.addf %select_n3A_707, %gather3A_746 : vector<16xf32>
        %broadcast_in_dim3A_748 = vector.shape_cast %xor3A_5 : vector<16xi32> to vector<16x1xi32>
        %gather3A_749 = vector.shape_cast %broadcast_in_dim3A_748 : vector<16x1xi32> to vector<16xi32>
        %gather3A_750 = tpu.dynamic_gather %select_n3A_716[%gather3A_749] in [0] : vector<16xf32>, vector<16xi32> -> vector<16xf32>
        %add3A_751 = arith.addf %select_n3A_716, %gather3A_750 : vector<16xf32>
        %select_n3A_752 = arith.select %eq3A_21, %add3A_747, %add3A_751 : vector<16xi1>, vector<16xf32>
        %broadcast_in_dim3A_753 = vector.shape_cast %xor3A_8 : vector<16xi32> to vector<16x1xi32>
        %gather3A_754 = vector.shape_cast %broadcast_in_dim3A_753 : vector<16x1xi32> to vector<16xi32>
        %gather3A_755 = tpu.dynamic_gather %select_n3A_725[%gather3A_754] in [0] : vector<16xf32>, vector<16xi32> -> vector<16xf32>
        %add3A_756 = arith.addf %select_n3A_725, %gather3A_755 : vector<16xf32>
        %broadcast_in_dim3A_757 = vector.shape_cast %xor3A_8 : vector<16xi32> to vector<16x1xi32>
        %gather3A_758 = vector.shape_cast %broadcast_in_dim3A_757 : vector<16x1xi32> to vector<16xi32>
        %gather3A_759 = tpu.dynamic_gather %select_n3A_734[%gather3A_758] in [0] : vector<16xf32>, vector<16xi32> -> vector<16xf32>
        %add3A_760 = arith.addf %select_n3A_734, %gather3A_759 : vector<16xf32>
        %select_n3A_761 = arith.select %eq3A_27, %add3A_756, %add3A_760 : vector<16xi1>, vector<16xf32>
        %broadcast_in_dim3A_762 = vector.shape_cast %xor3A_8 : vector<16xi32> to vector<16x1xi32>
        %gather3A_763 = vector.shape_cast %broadcast_in_dim3A_762 : vector<16x1xi32> to vector<16xi32>
        %gather3A_764 = tpu.dynamic_gather %select_n3A_743[%gather3A_763] in [0] : vector<16xf32>, vector<16xi32> -> vector<16xf32>
        %add3A_765 = arith.addf %select_n3A_743, %gather3A_764 : vector<16xf32>
        %broadcast_in_dim3A_766 = vector.shape_cast %xor3A_8 : vector<16xi32> to vector<16x1xi32>
        %gather3A_767 = vector.shape_cast %broadcast_in_dim3A_766 : vector<16x1xi32> to vector<16xi32>
        %gather3A_768 = tpu.dynamic_gather %select_n3A_752[%gather3A_767] in [0] : vector<16xf32>, vector<16xi32> -> vector<16xf32>
        %add3A_769 = arith.addf %select_n3A_752, %gather3A_768 : vector<16xf32>
        %select_n3A_770 = arith.select %eq3A_27, %add3A_765, %add3A_769 : vector<16xi1>, vector<16xf32>
        %broadcast_in_dim3A_771 = vector.shape_cast %xor3A_11 : vector<16xi32> to vector<16x1xi32>
        %gather3A_772 = vector.shape_cast %broadcast_in_dim3A_771 : vector<16x1xi32> to vector<16xi32>
        %gather3A_773 = tpu.dynamic_gather %select_n3A_761[%gather3A_772] in [0] : vector<16xf32>, vector<16xi32> -> vector<16xf32>
        %add3A_774 = arith.addf %select_n3A_761, %gather3A_773 : vector<16xf32>
        %broadcast_in_dim3A_775 = vector.shape_cast %xor3A_11 : vector<16xi32> to vector<16x1xi32>
        %gather3A_776 = vector.shape_cast %broadcast_in_dim3A_775 : vector<16x1xi32> to vector<16xi32>
        %gather3A_777 = tpu.dynamic_gather %select_n3A_770[%gather3A_776] in [0] : vector<16xf32>, vector<16xi32> -> vector<16xf32>
        %add3A_778 = arith.addf %select_n3A_770, %gather3A_777 : vector<16xf32>
        %select_n3A_779 = arith.select %eq3A_33, %add3A_774, %add3A_778 : vector<16xi1>, vector<16xf32>
        %le3A = arith.cmpf ole, %select_n3A_779, %sub3A_497 : vector<16xf32>
        %jit3A = arith.constant 1.000000e+00 : f32
        %jit3A_780 = arith.constant 0.000000e+00 : f32
        %broadcast_in_dim3A_781 = vector.broadcast %jit3A : f32 to vector<16xf32>
        %broadcast_in_dim3A_782 = vector.broadcast %jit3A_780 : f32 to vector<16xf32>
        %select_n3A_783 = arith.select %le3A, %broadcast_in_dim3A_781, %broadcast_in_dim3A_782 : vector<16xi1>, vector<16xf32>
        %mul3A_784 = arith.constant 16 : i32
        %mul3A_785 = arith.muli %scan3A_605, %mul3A_784 : i32
        %swap3A_786 = arith.index_cast %mul3A_785 : i32 to index
        %swap3A_787 = tpu.vector_load %arg10[%swap3A_786] {strides = array<i32>} : memref<80xf32, #tpu.memory_space<vmem>>, vector<16xf32>,
        %swap3A_788 = vector.shape_cast %swap3A_787 : vector<16xf32> to vector<16xf32>
        %swap3A_789 = vector.shape_cast %select_n3A_783 : vector<16xf32> to vector<16xf32>
        tpu.vector_store %arg10[%swap3A_786], %swap3A_789 {strides = array<i32>} : memref<80xf32, #tpu.memory_space<vmem>>, vector<16xf32>,
      }
      %scan3A_593 = arith.constant 5 : i32
      %mul3A_594 = arith.constant 80 : i32
      %mul3A_595 = arith.muli %min3A_576, %mul3A_594 : i32
      %dma_start3A_596 = tpu.memref_slice %arg4[%mul3A_595] : memref<56000xf32, #tpu.memory_space<hbm>> -> memref<80xf32, #tpu.memory_space<hbm>>
      %dma_start3A_597 = tpu.memref_slice %arg4[%mul3A_595] : memref<56000xf32, #tpu.memory_space<hbm>> -> memref<80xf32, #tpu.memory_space<hbm>>
      tpu.enqueue_dma source(%arg10 : memref<80xf32, #tpu.memory_space<vmem>>) target(%dma_start3A_597 : memref<80xf32, #tpu.memory_space<hbm>>) target_semaphore(%arg14 : memref<!tpu.dma_semaphore, #tpu.memory_space<semaphore_mem>>)
      %add3A_598 = arith.constant 2 : i32
      %add3A_599 = arith.addi %add3A_571, %add3A_598 : i32
      %lt3A_600 = arith.constant 22 : i32
      %lt3A_601 = arith.cmpi slt, %add3A_599, %lt3A_600 : i32
      %convert_element_type3A_602 = arith.extui %lt3A_601 : i1 to i32
      %cond3A_603 = arith.constant 0 : i32
      %cond3A_604 = arith.cmpi ne, %convert_element_type3A_602, %cond3A_603 : i32
      scf.if %cond3A_604 {
        %add3A_605 = arith.constant 2 : i32
        %add3A_606 = arith.addi %add3A_571, %add3A_605 : i32
        %mul3A_607 = arith.constant 32 : i32
        %mul3A_608 = arith.muli %add3A_606, %mul3A_607 : i32
        %add3A_609 = arith.addi %add3A, %mul3A_608 : i32
        %min3A_610 = arith.constant 699 : i32
        %min3A_611 = arith.minsi %add3A_609, %min3A_610 : i32
        %mul3A_612 = arith.constant 80 : i32
        %mul3A_613 = arith.muli %min3A_611, %mul3A_612 : i32
        %dma_start3A_614 = arith.constant 0 : i32
        %dma_start3A_615 = tpu.memref_slice %arg3[%mul3A_613, %dma_start3A_614] : memref<100000x512xf32, #tpu.memory_space<hbm>> -> memref<80x512xf32, #tpu.memory_space<hbm>>
        %dma_start3A_616 = arith.constant 0 : i32
        %dma_start3A_617 = tpu.memref_slice %arg3[%mul3A_613, %dma_start3A_616] : memref<100000x512xf32, #tpu.memory_space<hbm>> -> memref<80x512xf32, #tpu.memory_space<hbm>>
        tpu.enqueue_dma source(%dma_start3A_617 : memref<80x512xf32, #tpu.memory_space<hbm>>) target(%arg8 : memref<80x512xf32, #tpu.memory_space<vmem>>) target_semaphore(%arg12 : memref<!tpu.dma_semaphore, #tpu.memory_space<semaphore_mem>>)
      } else {
      }
    }
    %scan3A_520 = arith.constant 11 : i32
    %add3A_521 = arith.constant 640 : i32
    %add3A_522 = arith.addi %add3A, %add3A_521 : i32
    %min3A_523 = arith.constant 699 : i32
    %min3A_524 = arith.minsi %add3A_522, %min3A_523 : i32
    %mul3A_525 = arith.constant 80 : i32
    %mul3A_526 = arith.muli %min3A_524, %mul3A_525 : i32
    %dma_wait3A = tpu.memref_slice %arg4[%mul3A_526] : memref<56000xf32, #tpu.memory_space<hbm>> -> memref<80xf32, #tpu.memory_space<hbm>>
    %dma_wait3A_527 = tpu.memref_slice %arg4[%mul3A_526] : memref<56000xf32, #tpu.memory_space<hbm>> -> memref<80xf32, #tpu.memory_space<hbm>>
    tpu.wait_dma2 semaphore(%arg13 : memref<!tpu.dma_semaphore, #tpu.memory_space<semaphore_mem>>) src(%arg9 : memref<80xf32, #tpu.memory_space<vmem>>) dst(%dma_wait3A_527 : memref<80xf32, #tpu.memory_space<hbm>>)
    %add3A_528 = arith.constant 672 : i32
    %add3A_529 = arith.addi %add3A, %add3A_528 : i32
    %min3A_530 = arith.constant 699 : i32
    %min3A_531 = arith.minsi %add3A_529, %min3A_530 : i32
    %mul3A_532 = arith.constant 80 : i32
    %mul3A_533 = arith.muli %min3A_531, %mul3A_532 : i32
    %dma_wait3A_534 = tpu.memref_slice %arg4[%mul3A_533] : memref<56000xf32, #tpu.memory_space<hbm>> -> memref<80xf32, #tpu.memory_space<hbm>>
    %dma_wait3A_535 = tpu.memref_slice %arg4[%mul3A_533] : memref<56000xf32, #tpu.memory_space<hbm>> -> memref<80xf32, #tpu.memory_space<hbm>>
    tpu.wait_dma2 semaphore(%arg14 : memref<!tpu.dma_semaphore, #tpu.memory_space<semaphore_mem>>) src(%arg10 : memref<80xf32, #tpu.memory_space<vmem>>) dst(%dma_wait3A_535 : memref<80xf32, #tpu.memory_space<hbm>>)
    return
  }
}

module attributes {stable_mosaic.version = 14 : i64} {
  func.func @_tc_body(%arg0: i32, %arg1: memref<1x512xf32, #tpu.memory_space<vmem>>, %arg2: memref<1x2000x512xf32, #tpu.memory_space<vmem>>, %arg3: memref<1x1x2000xf32, #tpu.memory_space<vmem>>) attributes {dimension_semantics = [#tpu.dimension_semantics<arbitrary>], iteration_bounds = array<i64: 22>, scalar_prefetch = 0 : i64, scratch_operands = 0 : i64, tpu.core_type = #tpu.core_type<tc>, window_params = [{pipeline_mode = #tpu.pipeline_mode<synchronous>, transform_indices = @transform_0, window_bounds = array<i64: 1, 512>}, {transform_indices = @transform_1, window_bounds = array<i64: 1, 2000, 512>}, {transform_indices = @transform_2, window_bounds = array<i64: 1, 1, 2000>}]} {
    %get3A = arith.constant 0 : index
    %get3A_0 = arith.constant 0 : index
    %get3A_1 = vector.load %arg1[%get3A, %get3A_0] : memref<1x512xf32, #tpu.memory_space<vmem>>, vector<1x512xf32>
    %get3A_2 = vector.shape_cast %get3A_1 : vector<1x512xf32> to vector<512xf32>
    %mul3A = arith.constant 2.000000e+00 : f32
    %mul3A_3 = vector.broadcast %mul3A : f32 to vector<512xf32>
    %mul3A_4 = arith.mulf %mul3A_3, %get3A_2 : vector<512xf32>
    %sub3A = arith.constant 1.000000e+00 : f32
    %sub3A_5 = vector.broadcast %sub3A : f32 to vector<512xf32>
    %sub3A_6 = arith.subf %sub3A_5, %mul3A_4 : vector<512xf32>
    %reduce_sum3A = vector.shape_cast %get3A_2 : vector<512xf32> to vector<1x512xf32>
    %reduce_sum3A_7 = arith.constant dense<0.000000e+00> : vector<1xf32>
    %reduce_sum3A_8 = vector.multi_reduction <add>, %reduce_sum3A, %reduce_sum3A_7 [1] : vector<1x512xf32> to vector<1xf32>
    %reduce_sum3A_9 = vector.shape_cast %reduce_sum3A_8 : vector<1xf32> to vector<1x1xf32>
    %reduce_sum3A_10 = vector.extract %reduce_sum3A_9[0, 0] : f32 from vector<1x1xf32>
    %get3A_11 = arith.constant 0 : index
    %get3A_12 = arith.constant 0 : index
    %get3A_13 = arith.constant 0 : index
    %get3A_14 = vector.load %arg2[%get3A_11, %get3A_12, %get3A_13] : memref<1x2000x512xf32, #tpu.memory_space<vmem>>, vector<1x2000x512xf32>
    %get3A_15 = vector.shape_cast %get3A_14 : vector<1x2000x512xf32> to vector<2000x512xf32>
    %broadcast_in_dim3A = vector.shape_cast %sub3A_6 : vector<512xf32> to vector<1x512xf32>
    %mul3A_16 = vector.broadcast %broadcast_in_dim3A : vector<1x512xf32> to vector<2000x512xf32>
    %mul3A_17 = arith.mulf %get3A_15, %mul3A_16 : vector<2000x512xf32>
    %reduce_sum3A_18 = arith.constant dense<0.000000e+00> : vector<2000xf32>
    %reduce_sum3A_19 = vector.multi_reduction <add>, %mul3A_17, %reduce_sum3A_18 [1] : vector<2000x512xf32> to vector<2000xf32>
    %add3A = vector.broadcast %reduce_sum3A_10 : f32 to vector<2000xf32>
    %add3A_20 = arith.addf %add3A, %reduce_sum3A_19 : vector<2000xf32>
    %le3A = arith.constant 1.000000e+00 : f32
    %le3A_21 = vector.broadcast %le3A : f32 to vector<2000xf32>
    %le3A_22 = arith.cmpf ole, %add3A_20, %le3A_21 : vector<2000xf32>
    %jit3A = arith.constant 1.000000e+00 : f32
    %jit3A_23 = arith.constant 0.000000e+00 : f32
    %broadcast_in_dim3A_24 = vector.broadcast %jit3A : f32 to vector<2000xf32>
    %broadcast_in_dim3A_25 = vector.broadcast %jit3A_23 : f32 to vector<2000xf32>
    %select_n3A = arith.select %le3A_22, %broadcast_in_dim3A_24, %broadcast_in_dim3A_25 : vector<2000xi1>, vector<2000xf32>
    %swap3A = arith.constant 0 : index
    %swap3A_26 = arith.constant 0 : index
    %swap3A_27 = arith.constant 0 : index
    %swap3A_28 = vector.load %arg3[%swap3A, %swap3A_26, %swap3A_27] : memref<1x1x2000xf32, #tpu.memory_space<vmem>>, vector<1x1x2000xf32>
    %swap3A_29 = vector.shape_cast %swap3A_28 : vector<1x1x2000xf32> to vector<2000xf32>
    %swap3A_30 = vector.shape_cast %select_n3A : vector<2000xf32> to vector<1x1x2000xf32>
    tpu.vector_store %arg3[%swap3A, %swap3A_26, %swap3A_27], %swap3A_30 {strides = array<i32>} : memref<1x1x2000xf32, #tpu.memory_space<vmem>>, vector<1x1x2000xf32>,
    return
  }
  func.func @transform_0(%arg0: i32) -> (i32, i32) {
    %c0_i32 = arith.constant 0 : i32
    %c0_i32_0 = arith.constant 0 : i32
    %c0_i32_1 = arith.constant 0 : i32
    return %c0_i32, %c0_i32_0 : i32, i32
  }
  func.func @transform_1(%arg0: i32) -> (i32, i32, i32) {
    %add3A = arith.constant 28 : i32
    %add3A_0 = arith.addi %arg0, %add3A : i32
    %c0_i32 = arith.constant 0 : i32
    %c0_i32_1 = arith.constant 0 : i32
    %c0_i32_2 = arith.constant 0 : i32
    return %add3A_0, %c0_i32, %c0_i32_1 : i32, i32, i32
  }
  func.func @transform_2(%arg0: i32) -> (i32, i32, i32) {
    %c0_i32 = arith.constant 0 : i32
    %c0_i32_0 = arith.constant 0 : i32
    %c0_i32_1 = arith.constant 0 : i32
    return %arg0, %c0_i32, %c0_i32_0 : i32, i32, i32
  }
}

</mosaic_0001>

<sc_bundles>
// kernel: kernel.4.cloned.1.call-start
scs
__scs_entry_jumppad:
0x0: {  	(pc) =	sbr.rel $0x88, $3  }
0x1: {  	(tag) =	ssettag $0x0;
	lr =	simm.s32 $0x1  }
0x2: {  	[smem:$0x3F9F] =	sst lr;
	_ =	strace $0xD0000000  }
0x3: {  	_ = 	snop  }
0x4: {  	_ = 	snop  }
0x5: {  	_ = 	snop  }
0x6: {  	_ = 	snop  }
0x7: {  	_ = 	snop  }
__scs_overlays_trampoline_lowered:
0x8: {  	[smem:$0x3FAE] =	sst s0  }
0x9: {  	[smem:$0x3FAF] =	sst s1  }
0xa: {  	[smem:$0x3FB0] =	sst s2  }
0xb: {  	[smem:$0x3FB1] =	sst s3  }
0xc: {  	[smem:$0x3FB2] =	sst s4  }
0xd: {  	[smem:$0x3FB3] =	sst s5  }
0xe: {  	[smem:$0x3FB4] =	sst s6  }
0xf: {  	[smem:$0x3FB5] =	sst s7  }
0x10: {  	[smem:$0x3FB6] =	sst s8  }
0x11: {  	[smem:$0x3FB7] =	sst s9;
	s0 =	simm.s32 @!p0 $0x0  }
0x12: {  	s1 =	sld [smem:$0x3F9D];
	s0 =	simm.s32 @p0 $0x1  }
0x13: {  	[smem:$0x3FB8] =	sst s0;
	s0 =	simm.s32 @!p1 $0x0  }
0x14: {  	s2 =	sld [smem:$0x3F9C];
	s0 =	simm.s32 @p1 $0x1  }
0x15: {  	[smem:$0x3FB9] =	sst s0;
	s0 =	simm.s32 @!p2 $0x0  }
0x16: {  	s3 =	sld [smem:$0x3FDB];
	s0 =	simm.s32 @p2 $0x1  }
0x17: {  	s4 =	simm.s32 $0x1BF5;
	[smem:$0x3FBB] =	sst s0  }
0x18: {  	s0 =	sld [smem:$0x3F9E];
	_ =	swait.ge [sflag:s4], $0x0  }
0x19: {  	s7 =	sld [smem:$0x3F9F]  }
0x1a: {  	s8 =	sadd.s32 $0xFFFFE003, lr  }
0x1b: {  	s9 =	sadd.s32 $0xFFFFFEF7, lr;
	s5 =	simm.s32 $0xFFFFFFFF;
	p2 =	slt.u32 s8, $0xFFFFF086  }
0x1c: {  	p1 =	slt.u32 s9, $0xF7A;
	s5 =	simm.s32 @!p2 $0x0  }
0x1d: {  	s5 =	simm.s32 @p1 $0x1;
	p0 =	seq.s32 s7, s2  }
0x1e: {  	s7 =	smul.u32 @!p0 $0xF7A, s2;
	p2 =	seq.s32 @!p0 s5, $0x0  }
0x1f: {  	s9 =	smul.u32 $0xF7A, s1;
	s8 =	simm.s32 @!p0 $0x1BF5;
	p2 =	por !p2, p0  }
0x20: {  	[sflag:s8] =	ssyncset.s32 @!p0 $0xFFFFF086;
	s6 =	sadd.s32 @!p0 s3, s7;
	s7 =	simm.s32 @!p0 $0x108  }
0x21: {  	s3 =	sadd.s32 s3, s9;
	s6 =	sadd.s32 @!p0 $0x88, s6;
	s7 =	simm.s32 @p2 $0x1082  }
0x22: {  	[simem:s7], [sflag:s8] =	dma.local @!p0 [hbm:s6], $0xF7A  }
0x23: {  	s9 =	sor.u32 $0xD0000000, s2;
	s6 =	simm.s32 $0x108;
	_ =	swait.ge @!p0 [sflag:s8], $0x0  }
0x24: {  	s3 =	sadd.s32 $0x88, s3;
	s6 =	simm.s32 @!p1 $0x1082;
	[sflag:s4] =	ssyncset.s32 $0xFFFFF086  }
0x25: {  	[simem:s6], [sflag:s4] =	dma.local [hbm:s3], $0xF7A  }
0x26: {  	[smem:$0x3F9F] =	sst s1;
	(tag) =	ssettag s2;
	_ =	strace s9  }
0x27: {  	s1 =	sld [smem:$0x3FAF]  }
0x28: {  	s2 =	sld [smem:$0x3FB0]  }
0x29: {  	s4 =	sld [smem:$0x3FB2]  }
0x2a: {  	p0 =	seq.s32 s5, $0x0;
	s5 =	sld [smem:$0x3FB3]  }
0x2b: {  	s6 =	sld [smem:$0x3FB4]  }
0x2c: {  	s7 =	sld [smem:$0x3FB5]  }
0x2d: {  	s3 =	simm.s32 $0x108;
	s8 =	sld [smem:$0x3FB6]  }
0x2e: {  	s3 =	simm.s32 @!p0 $0x1082;
	s9 =	sld [smem:$0x3FB7]  }
0x2f: {  	lr =	sadd.s32 s0, s3;
	s0 =	sld [smem:$0x3FAE]  }
0x30: {  	s3 =	sld [smem:$0x3FB1]  }
0x31: {  	[smem:$0x3FBA] =	sst s10  }
0x32: {  	s10 =	sld [smem:$0x3FB8];
	_ =	sdelay $0x3  }
0x33: {  	p0 =	seq.s32 s10, $0x1;
	s10 =	sld [smem:$0x3FBA];
	_ =	sdelay $0x3  }
0x34: {  	[smem:$0x3FBA] =	sst s10  }
0x35: {  	s10 =	sld [smem:$0x3FB9];
	_ =	sdelay $0x3  }
0x36: {  	p1 =	seq.s32 s10, $0x1;
	s10 =	sld [smem:$0x3FBA];
	_ =	sdelay $0x3  }
0x37: {  	[smem:$0x3FBA] =	sst s10  }
0x38: {  	s10 =	sld [smem:$0x3FBB]  }
0x39: {  	_ = 	snop;
	(pc) =	sbr.ind lr, $3  }
0x3a: {  	_ = 	snop  }
0x3b: {  	_ = 	snop  }
0x3c: {  	p2 =	seq.s32 s10, $0x1;
	s10 =	sld [smem:$0x3FBA]  }
0x3d: {  	_ =	shalt  }
0x3e: {  	_ =	shalt  }
0x3f: {  	_ =	shalt  }
0x40: {  	_ =	shalt  }
0x41: {  	_ =	shalt  }
0x42: {  	_ =	shalt  }
0x43: {  	_ =	shalt  }
0x44: {  	_ =	shalt  }
0x45: {  	_ =	shalt  }
0x46: {  	_ =	shalt  }
0x47: {  	_ =	shalt  }
0x48: {  	_ =	shalt  }
0x49: {  	_ =	shalt  }
0x4a: {  	_ =	shalt  }
0x4b: {  	_ =	shalt  }
0x4c: {  	_ =	shalt  }
0x4d: {  	_ =	shalt  }
0x4e: {  	_ =	shalt  }
0x4f: {  	_ =	shalt  }
0x50: {  	_ =	shalt  }
0x51: {  	_ =	shalt  }
0x52: {  	_ =	shalt  }
0x53: {  	_ =	shalt  }
0x54: {  	_ =	shalt  }
0x55: {  	_ =	shalt  }
0x56: {  	_ =	shalt  }
0x57: {  	_ =	shalt  }
0x58: {  	_ =	shalt  }
0x59: {  	_ =	shalt  }
0x5a: {  	_ =	shalt  }
0x5b: {  	_ =	shalt  }
0x5c: {  	_ =	shalt  }
0x5d: {  	_ =	shalt  }
0x5e: {  	_ =	shalt  }
0x5f: {  	_ =	shalt  }
0x60: {  	_ =	shalt  }
0x61: {  	_ =	shalt  }
0x62: {  	_ =	shalt  }
0x63: {  	_ =	shalt  }
0x64: {  	_ =	shalt  }
0x65: {  	_ =	shalt  }
0x66: {  	_ =	shalt  }
0x67: {  	_ =	shalt  }
0x68: {  	_ =	shalt  }
0x69: {  	_ =	shalt  }
0x6a: {  	_ =	shalt  }
0x6b: {  	_ =	shalt  }
0x6c: {  	_ =	shalt  }
0x6d: {  	_ =	shalt  }
0x6e: {  	_ =	shalt  }
0x6f: {  	_ =	shalt  }
0x70: {  	_ =	shalt  }
0x71: {  	_ =	shalt  }
0x72: {  	_ =	shalt  }
0x73: {  	_ =	shalt  }
0x74: {  	_ =	shalt  }
0x75: {  	_ =	shalt  }
0x76: {  	_ =	shalt  }
0x77: {  	_ =	shalt  }
0x78: {  	_ =	shalt  }
0x79: {  	_ =	shalt  }
0x7a: {  	_ =	shalt  }
0x7b: {  	_ =	shalt  }
0x7c: {  	_ =	shalt  }
0x7d: {  	_ =	shalt  }
0x7e: {  	_ =	shalt  }
0x7f: {  	_ =	shalt  }
0x80: {  	_ =	shalt  }
0x81: {  	_ =	shalt  }
0x82: {  	_ =	shalt  }
0x83: {  	_ =	shalt  }
0x84: {  	_ =	shalt  }
0x85: {  	_ =	shalt  }
0x86: {  	_ =	shalt  }
0x87: {  	_ =	shalt  }
.Lfunc_end0:
.L_simem_size_0:
called_computation_lowered:
.L_overlay_start_0:
0x88: {  	s2 =	sld [smem:$0x3FD9]  }
0x89: {  	s3 =	sld [smem:$0x3FFE];
	_ =	sdelay $0x1  }
0x8a: {  	s1 =	srdreg.scid  }
0x8b: {  	s0 =	sand.u32 $0x1, s1  }
0x8c: {  	s17 =	sshll.u32 s0, $0xA;
	s2 =	sadd.s32 s3, s2  }
0x8d: {  	s2 =	sadd.s32 s2, s17  }
0x8e: {  	[smem:$0x3FC6] =	sst s2  }
0x8f: {  	_ = 	snop  }
0x90: {  	s2 =	sld [smem:$0x3FC9]  }
0x91: {  	s18 =	sld [smem:$0x3FC8];
	(tm) =	ssettm $0x1  }
0x92: {  	s4 =	sld [smem:$0x3FFB];
	_ =	sdelay $0x3  }
0x93: {  	_ =	strace s4  }
0x94: {  	s4 =	sld [smem:$0x3FFC];
	_ =	sdelay $0x3  }
0x95: {  	_ =	strace s4  }
0x96: {  	s4 =	sld [smem:$0x3FFD];
	_ =	sdelay $0x3  }
0x97: {  	_ =	strace s4  }
0x98: {  	_ =	strace $0x8FFFFFFF  }
0x99: {  	s19 =	sld [smem:$0x3FDB];
	_ =	sdelay $0x1  }
0x9a: {  	s5 =	simm.s32 $_scs_section_size  }
0x9b: {  	s6 =	simm.s32 $_size__tile_overlayer_lowered;
	s7 =	simm.s32 $_tile_overlayer_lowered  }
0x9c: {  	s22 =	simm.s32 $0x1BFF;
	s21 =	sshll.u32 s7, $0x1;
	s4 =	sadd.s32 s5, s19  }
0x9d: {  	s8 =	simm.s32 $0x0;
	s20 =	sshll.u32 s6, $0x1;
	s6 =	sadd.s32 s21, s4  }
0x9e: {  	[timem:s8], [sflag:s22] =	dma.local [hbm:s6], s20  }
0x9f: {  	_ =	swait.ge [sflag:s22], s20  }
0xa0: {  	s5 =	ssub.s32 $0x0, s20;
	[sflag:s22] =	ssyncset.done $0x0  }
0xa1: {  	[sflag:s22] =	ssyncadd.s32 s5;
	_ =	sdelay $0x1  }
0xa2: {  	s23 =	simm.s32 $0x1B8B  }
0xa3: {  	_ =	swait.ge [sflag:s23], $0x1  }
0xa4: {  	[sflag:s23] =	ssyncset.done $0x0  }
0xa5: {  	s25 =	simm.s32 $0x1B8E;
	s24 =	sld [smem:$0x3FFE];
	[sflag:s23] =	ssyncadd.s32 $0xFFFFFFFF  }
0xa6: {  	s26 =	simm.s32 $execute0_lowered;
	[smem:$0x3FD2] =	sst s25  }
0xa7: {  	s6 =	sshll.u32 s26, $0x1;
	_ =	strace $0x80000046;
	[dreg:$0x1] =	wrdreg $0xFFFFFFFF  }
0xa8: {  	s28 =	simm.s32 $_size_execute0_lowered;
	s4 =	sadd.s32 s4, s6;
	[dreg:$0x0] =	wrdreg $0x0  }
0xa9: {  	s6 =	sshll.u32 s28, $0x1;
	[dreg:$0x2] =	wrdreg s4  }
0xaa: {  	[dreg:$0x3] =	wrdreg s6  }
0xab: {  	[dreg:$0x4] =	wrdreg $0xC0  }
0xac: {  	_ =	task [dreg:s8], $0x5FFFF  }
0xad: {  	[dreg:$0x1] =	wrdreg $0xFFFFFFFF  }
0xae: {  	[dreg:$0x0] =	wrdreg $0x60  }
0xaf: {  	[dreg:$0x2] =	wrdreg s2  }
0xb0: {  	[dreg:$0x3] =	wrdreg s18  }
0xb1: {  	[dreg:$0x4] =	wrdreg s24  }
0xb2: {  	[dreg:$0x5] =	wrdreg $0x9  }
0xb3: {  	_ =	task.clear_ibuf [dreg:s8], $0x6FFFF;
	_ =	strace $0x90000046  }
0xb4: {  	s29 =	simm.s32 $0x9;
	_ =	strace $0x80000048  }
0xb5: {  	_ =	swait.ge [sflag:s29], $0x1  }
0xb6: {  	[sflag:s29] =	ssyncadd.s32 $0xFFFFFFFF  }
0xb7: {  	_ =	strace $0x90000048  }
0xb8: {  	_ =	sfence  }
0xb9: {  	s30 =	sld [smem:$0x0];
	_ =	sdelay $0x2  }
0xba: {  	s31 =	sshll.u32 s1, $0xD;
	s1 =	sshrl.u32 s1, $0x2  }
0xbb: {  	s3 =	sand.u32 $0x4000, s31;
	s1 =	sadd.s32 s1, s30  }
0xbc: {  	s0 =	sor.u32 s3, s0;
	s1 =	sshll.u32 s1, $0x11  }
0xbd: {  	s0 =	sor.u32 s1, s0  }
0xbe: {  	s0 =	sadd.s32 $0x8F2B, s0  }
0xbf: {  	[sflag:s0] =	ssyncadd.remote.s32 $0x1  }
0xc0: {  	_ =	sfence.sel $0xFFFF  }
0xc1: {  	[dreg:$0x0] =	wrdreg $0xFFFFFFFF;
	(pc) =	sbr.abs _section_cstart, $3  }
0xc2: {  	[dreg:$0x1] =	wrdreg $0xFFFFFFFF  }
0xc3: {  	_ =	task.clear_ibuf [dreg:s8], $0x2FFFF;
	_ =	strace $0x9FFFFFFF  }
0xc4: {  	(tm) =	ssettm $0x7FFFFFFF  }
0xc5: {  	_ =	shalt  }
tec
execute0_lowered:
.L_overlay_start_1:
0x0: {  	(tag) =	ssettag $0x1  }
0x1: {  	v0 =	vimm.s32 $0xEFCDAB89;
	v1 =	vimm.s32 $0x67452301  }
0x2: {  	v2 =	vimm.s32 $0xDCFE98BA;
	v3 =	vimm.s32 $0x54761032;
	v4 =	vimm.s32 $0xBA98FEDC  }
0x3: {  	v5 =	vimm.s32 $0x32107654;
	vm0 =	vcmask $0xB08;
	vm1 =	vcmask $0x300  }
0x4: {  	vm2 =	vcmask $0x1710;
	vm3 =	vcmask $0x700;
	v7 =	vimm.f32 $0.0e+00  }
0x5: {  	v0 =	vunpack.c.l.s4.s8 v0;
	v1 =	vunpack.c.l.s4.s8 v1;
	v2 =	vunpack.c.l.s4.s8 v2  }
0x6: {  	v3 =	vunpack.c.l.s4.s8 v3;
	vm0 =	vmor vm1, vm0;
	vm1 =	vcmask $0x1310  }
0x7: {  	v4 =	vunpack.c.l.s4.s8 v4;
	v5 =	vunpack.c.l.s4.s8 v5;
	vm0 =	vmor vm0, vm1  }
0x8: {  	vm1 =	vcmask $0x1B18;
	v0 =	vunpack.c.0.s8.s32 v0;
	v1 =	vunpack.c.0.s8.s32 v1  }
0x9: {  	s1 =	rddreg [dreg:$0x1];
	s2 =	srdreg.scid;
	v2 =	vunpack.c.0.s8.s32 v2;
	v3 =	vunpack.c.0.s8.s32 v3;
	v4 =	vunpack.c.0.s8.s32 v4  }
0xa: {  	s0 =	stileid.u32;
	s3 =	rddreg [dreg:$0x2];
	s4 =	simm.s32 $0x0;
	v5 =	vunpack.c.0.s8.s32 v5;
	vm0 =	vmor vm0, vm1;
	vm1 =	vcmask $0x2320  }
0xb: {  	s12 =	simm.s32 $0x5;
	s14 =	simm.s32 $0xA400;
	s15 =	simm.s32 $0x1;
	vm0 =	vmor vm0, vm1;
	vm1 =	vcmask $0x2B28;
	v0 =	vcombine.low v1, v0  }
0xc: {  	s16 =	simm.s32 $0x14400;
	s2 =	sand.u32 $0x1, s2;
	s5 =	sshll.u32 s0, $0x1;
	v1 =	vcombine.low v3, v2;
	v2 =	vcombine.low v5, v4;
	v3 =	vimm.s32 $0x76543210  }
0xd: {  	s17 =	simm.s32 $0x2;
	s18 =	simm.s32 $0x14480;
	s5 =	sor.u32 s2, s5;
	v4 =	vimm.s32 $0xFEDCBA98;
	vm0 =	vmor vm0, vm1;
	vm1 =	vcmask $0x3330  }
0xe: {  	s19 =	simm.s32 $0x3;
	s20 =	simm.s32 $0x4;
	s6 =	smul.u32 $0xA000, s5;
	v4 =	vunpack.c.l.s4.s8 v4;
	v3 =	vunpack.c.l.s4.s8 v3;
	vm0 =	vmor vm0, vm1  }
0xf: {  	s21 =	simm.s32 $0x0;
	[smem:$0x7FF] =	sst s4;
	s8 =	smul.u32 $0x1400, s5;
	vm1 =	vmor vm3, vm2;
	vm2 =	vcmask $0x2720;
	vm3 =	vcmask $0x3B38  }
.Ltmp0:
0x10: {  	_ =	strace $0x80000047;
	s2 =	ssub.s32 $0x2, s2;
	vm1 =	vmor vm1, vm2;
	vm2 =	vcmask $0x3730;
	vm0 =	vmor vm0, vm3;
	(pc) =	sbr.rel .LBB2_1-.Ltmp0, $4  }
0x11: {  	s7 =	sshrl.u32 s2, $0x1;
	s10 =	sor.u32 $0x60, s5;
	s9 =	sshrl.u32 s6, $0x3;
	v5 =	vand.u32 $0xF, v1;
	vm3 =	vcmask $0xF00;
	v4 =	vunpack.c.0.s8.s32 v4  }
0x12: {  	s2 =	ssub.s32 s2, s7;
	s30 =	sadd.s32 s1, s8;
	s29 =	sadd.s32 s1, s9;
	v3 =	vunpack.c.0.s8.s32 v3;
	vm1 =	vmor vm1, vm2;
	vm2 =	vcmask $0x2F20  }
0x13: {  	s6 =	sadd.s32 $0x200, s3;
	[dreg:$0x8] =	wrdreg s30;
	s31 =	sadd.s32 $0x28000, s29;
	v6 =	vand.u32 $0xF, v2;
	vm2 =	vmor vm3, vm2;
	v4 =	vand.u32 $0xF, v4  }
0x14: {  	s11 =	smax.u32 s2, $0x1;
	s9 =	sor.u32 $0x40, s5;
	[dreg:$0x9] =	wrdreg s31;
	vm3 =	vmmov $0xff;
	v3 =	vcombine.low v4, v3;
	v4 =	vand.u32 $0xF, v0  }
.LBB2_12:
0x15: {  	s21 =	sadd.s32 $0x1, s21  }
0x16: {  	_ =	swait.ge [sflag:s19], $0x50;
	p0 =	sne.s32 s21, s11  }
.Ltmp1:
0x17: {  	[sflag:s19] =	ssyncset.done $0x0;
	(pc) =	sbr.rel @!p0 .LBB2_13-.Ltmp1, $4  }
0x18: {  	[sflag:s19] =	ssyncadd.s32 $0xFFFFFFB0  }
0x19: {  	_ =	swait.ge [sflag:s20], $0x50  }
0x1a: {  	[sflag:s20] =	ssyncset.done $0x0  }
0x1b: {  	[sflag:s20] =	ssyncadd.s32 $0xFFFFFFB0  }
.LBB2_1:
0x1c: {  	s0 =	rddreg [dreg:$0x0]  }
0x1d: {  	[tilespmem:s4], [sflag:$0x5] =	stream.linear.gather [hbm4b:s0+s4], $0x200, $0x38;
	[tilespmem:$0x14500] =	vst v63  }
0x1e: {  	_ =	swait.ge [sflag:s12], $0x200  }
0x1f: {  	[sflag:s12] =	ssyncset.done $0x0  }
0x20: {  	[sflag:s12] =	ssyncadd.s32 $0xFFFFFE00  }
0x21: {  	v8 =	vld [tilespmem:$0x0];
	_ =	sdelay $0x1  }
0x22: {  	v9 =	vld [tilespmem:$0x10];
	_ =	sdelay $0x1  }
0x23: {  	v10 =	vld [tilespmem:$0x20]  }
0x24: {  	v11 =	vadd.f32 $0.0e+00, v8  }
0x25: {  	v12 =	vld [tilespmem:$0x30]  }
0x26: {  	v11 =	vadd.f32 v9, v11  }
0x27: {  	v13 =	vld [tilespmem:$0x40]  }
0x28: {  	v11 =	vadd.f32 v10, v11  }
0x29: {  	v14 =	vld [tilespmem:$0x50]  }
0x2a: {  	v11 =	vadd.f32 v12, v11  }
0x2b: {  	v15 =	vld [tilespmem:$0x60]  }
0x2c: {  	v11 =	vadd.f32 v13, v11  }
0x2d: {  	v16 =	vld [tilespmem:$0x70]  }
0x2e: {  	v11 =	vadd.f32 v14, v11  }
0x2f: {  	v17 =	vld [tilespmem:$0x80]  }
0x30: {  	v11 =	vadd.f32 v15, v11  }
0x31: {  	v18 =	vld [tilespmem:$0x90]  }
0x32: {  	v11 =	vadd.f32 v16, v11  }
0x33: {  	v19 =	vld [tilespmem:$0xA0]  }
0x34: {  	v11 =	vadd.f32 v17, v11  }
0x35: {  	v20 =	vld [tilespmem:$0xB0]  }
0x36: {  	v11 =	vadd.f32 v18, v11  }
0x37: {  	v21 =	vld [tilespmem:$0xC0]  }
0x38: {  	v11 =	vadd.f32 v19, v11  }
0x39: {  	v22 =	vld [tilespmem:$0xD0]  }
0x3a: {  	v11 =	vadd.f32 v20, v11  }
0x3b: {  	v23 =	vld [tilespmem:$0xE0]  }
0x3c: {  	v11 =	vadd.f32 v21, v11  }
0x3d: {  	v24 =	vld [tilespmem:$0xF0]  }
0x3e: {  	v11 =	vadd.f32 v22, v11  }
0x3f: {  	v25 =	vld [tilespmem:$0x100]  }
0x40: {  	v11 =	vadd.f32 v23, v11  }
0x41: {  	v26 =	vld [tilespmem:$0x110]  }
0x42: {  	v27 =	vld [tilespmem:$0x120];
	v11 =	vadd.f32 v24, v11  }
0x43: {  	v28 =	vld [tilespmem:$0x130];
	v8 =	vadd.f32 v8, v8  }
0x44: {  	v30 =	vld [tilespmem:$0x150];
	v50 =	vadd.f32 v14, v14;
	v11 =	vadd.f32 v25, v11  }
0x45: {  	v32 =	vld [tilespmem:$0x170];
	v51 =	vadd.f32 v16, v16;
	v52 =	vadd.f32 v18, v18  }
0x46: {  	v34 =	vld [tilespmem:$0x190];
	v53 =	vadd.f32 v20, v20;
	v11 =	vadd.f32 v26, v11  }
0x47: {  	v29 =	vld [tilespmem:$0x140];
	v54 =	vadd.f32 v22, v22;
	v55 =	vadd.f32 v24, v24  }
0x48: {  	v56 =	vadd.f32 v26, v26;
	v11 =	vadd.f32 v27, v11  }
0x49: {  	v57 =	vadd.f32 v28, v28;
	v58 =	vadd.f32 v30, v30  }
0x4a: {  	v59 =	vadd.f32 v32, v32;
	v11 =	vadd.f32 v28, v11  }
0x4b: {  	v31 =	vld [tilespmem:$0x160];
	v60 =	vadd.f32 v34, v34;
	v9 =	vadd.f32 v9, v9  }
0x4c: {  	v8 =	vsub.f32 $1.000000000e+00, v8;
	v11 =	vadd.f32 v29, v11  }
0x4d: {  	v10 =	vadd.f32 v10, v10;
	v9 =	vsub.f32 $1.000000000e+00, v9  }
0x4e: {  	v12 =	vadd.f32 v12, v12;
	v11 =	vadd.f32 v30, v11  }
0x4f: {  	v33 =	vld [tilespmem:$0x180];
	[tilespmem:$0x200] =	vst v8;
	v8 =	vsub.f32 $1.000000000e+00, v10;
	v10 =	vadd.f32 v13, v13  }
0x50: {  	[tilespmem:$0x210] =	vst v9;
	v9 =	vsub.f32 $1.000000000e+00, v12;
	v11 =	vadd.f32 v31, v11  }
0x51: {  	[tilespmem:$0x220] =	vst v8;
	v8 =	vsub.f32 $1.000000000e+00, v10;
	v10 =	vadd.f32 v15, v15  }
0x52: {  	[tilespmem:$0x230] =	vst v9;
	v9 =	vsub.f32 $1.000000000e+00, v50;
	v11 =	vadd.f32 v32, v11  }
0x53: {  	v35 =	vld [tilespmem:$0x1A0];
	[tilespmem:$0x240] =	vst v8;
	v8 =	vsub.f32 $1.000000000e+00, v10;
	v10 =	vadd.f32 v17, v17  }
0x54: {  	[tilespmem:$0x250] =	vst v9;
	v9 =	vsub.f32 $1.000000000e+00, v51;
	v11 =	vadd.f32 v33, v11  }
0x55: {  	v36 =	vld [tilespmem:$0x1B0];
	[tilespmem:$0x260] =	vst v8;
	v8 =	vsub.f32 $1.000000000e+00, v10;
	v10 =	vadd.f32 v19, v19  }
0x56: {  	[tilespmem:$0x270] =	vst v9;
	v9 =	vsub.f32 $1.000000000e+00, v52;
	v11 =	vadd.f32 v34, v11  }
0x57: {  	v37 =	vld [tilespmem:$0x1C0];
	[tilespmem:$0x280] =	vst v8;
	v8 =	vsub.f32 $1.000000000e+00, v10;
	v10 =	vadd.f32 v21, v21  }
0x58: {  	[tilespmem:$0x290] =	vst v9;
	v9 =	vsub.f32 $1.000000000e+00, v53;
	v11 =	vadd.f32 v35, v11  }
0x59: {  	v38 =	vld [tilespmem:$0x1D0];
	[tilespmem:$0x2A0] =	vst v8;
	v8 =	vsub.f32 $1.000000000e+00, v10;
	v10 =	vadd.f32 v23, v23  }
0x5a: {  	[tilespmem:$0x2B0] =	vst v9;
	v9 =	vsub.f32 $1.000000000e+00, v54;
	v11 =	vadd.f32 v36, v11  }
0x5b: {  	v39 =	vld [tilespmem:$0x1E0];
	[tilespmem:$0x2C0] =	vst v8;
	v8 =	vsub.f32 $1.000000000e+00, v10;
	v10 =	vadd.f32 v25, v25  }
0x5c: {  	[tilespmem:$0x2D0] =	vst v9;
	v9 =	vsub.f32 $1.000000000e+00, v55;
	v11 =	vadd.f32 v37, v11  }
0x5d: {  	v40 =	vld [tilespmem:$0x1F0];
	[tilespmem:$0x2E0] =	vst v8;
	v8 =	vsub.f32 $1.000000000e+00, v10;
	v10 =	vadd.f32 v27, v27  }
0x5e: {  	[tilespmem:$0x2F0] =	vst v9;
	v9 =	vsub.f32 $1.000000000e+00, v56;
	v11 =	vadd.f32 v38, v11  }
0x5f: {  	[tilespmem:$0x300] =	vst v8;
	v8 =	vsub.f32 $1.000000000e+00, v10;
	v10 =	vadd.f32 v29, v29  }
0x60: {  	[tilespmem:$0x310] =	vst v9;
	v9 =	vsub.f32 $1.000000000e+00, v57;
	v11 =	vadd.f32 v39, v11  }
0x61: {  	[tilespmem:$0x320] =	vst v8;
	v8 =	vsub.f32 $1.000000000e+00, v10;
	v10 =	vadd.f32 v31, v31  }
0x62: {  	[tilespmem:$0x330] =	vst v9;
	v9 =	vsub.f32 $1.000000000e+00, v58;
	v11 =	vadd.f32 v40, v11  }
0x63: {  	[tilespmem:$0x340] =	vst v8;
	v8 =	vsub.f32 $1.000000000e+00, v10;
	v10 =	vadd.f32 v33, v33  }
0x64: {  	v61 =	vadd.f32 v36, v36;
	[tilespmem:$0x350] =	vst v9;
	v9 =	vsub.f32 $1.000000000e+00, v59;
	v41 =	vperm.xlane v11, v0  }
0x65: {  	[tilespmem:$0x360] =	vst v8;
	v8 =	vsub.f32 $1.000000000e+00, v10;
	v10 =	vadd.f32 v35, v35  }
0x66: {  	[tilespmem:$0x370] =	vst v9;
	v9 =	vsub.f32 $1.000000000e+00, v60;
	v11 =	vadd.f32 v41, v11  }
0x67: {  	[tilespmem:$0x380] =	vst v8;
	v8 =	vsub.f32 $1.000000000e+00, v10;
	v10 =	vadd.f32 v37, v37  }
0x68: {  	v62 =	vadd.f32 v38, v38;
	[tilespmem:$0x390] =	vst v9;
	v41 =	vperm.xlane v11, v1  }
0x69: {  	v9 =	vsub.f32 $1.000000000e+00, v61;
	[tilespmem:$0x3A0] =	vst v8;
	v8 =	vsub.f32 $1.000000000e+00, v10  }
0x6a: {  	v10 =	vadd.f32 v39, v39;
	v11 =	vadd.f32 v41, v11  }
0x6b: {  	[tilespmem:$0x3B0] =	vst v9;
	v9 =	vsub.f32 $1.000000000e+00, v62  }
0x6c: {  	v63 =	vadd.f32 v40, v40;
	[tilespmem:$0x3C0] =	vst v8;
	v8 =	vsub.f32 $1.000000000e+00, v10;
	v10 =	vperm.xlane v11, v2  }
0x6d: {  	[tilespmem:$0x3D0] =	vst v9  }
0x6e: {  	v9 =	vsub.f32 $1.000000000e+00, v63;
	[tilespmem:$0x3E0] =	vst v8;
	v8 =	vadd.f32 v10, v11;
	_ =	sdelay $0x1  }
0x6f: {  	[tilespmem:$0x3F0] =	vst v9;
	v9 =	vperm.xlane v8, v3  }
0x70: {  	s2 =	simm.s32 $0x400;
	s30 =	rddreg [dreg:$0x8]  }
0x71: {  	[tilespmem:s2], [sflag:$0x1] =	stream.linear.gather [hbm4b:s30+s4], $0xA000, $0x38;
	v8 =	vadd.f32 v9, v8;
	[tilespmem:$0x14500] =	vst v63  }
0x72: {  	s22 =	simm.s32 $0x0;
	s31 =	rddreg [dreg:$0x9]  }
0x73: {  	[tilespmem:s14], [sflag:$0x2] =	stream.linear.gather [hbm4b:s31+s4], $0xA000, $0x38;
	v8 =	vsub.f32 $1.000000000e+00, v8;
	[tilespmem:$0x14500] =	vst v63  }
.LBB2_2:
0x74: {  	_ =	swait.ge [sflag:s15], $0xA000  }
0x75: {  	p0 =	seq.s32 s22, $0x0;
	[sflag:s15] =	ssyncset.done $0x0  }
0x76: {  	s2 =	simm.s32 @!p0 $0x3;
	[sflag:s15] =	ssyncadd.s32 $0xFFFF6000  }
0x77: {  	_ =	swait.ge @!p0 [sflag:s2], $0x50  }
0x78: {  	s23 =	sshll.u32 s22, $0x6;
	s25 =	simm.s32 $0x0;
	[sflag:s2] =	ssyncset.done @!p0 $0x0  }
0x79: {  	s26 =	simm.s32 $0x0;
	s24 =	sor.u32 s5, s23;
	[sflag:s2] =	ssyncadd.s32 @!p0 $0xFFFFFFB0  }
.LBB2_3:
0x7a: {  	s2 =	sshll.u32 s26, $0xF  }
0x7b: {  	s2 =	sshra.s32 s2, $0x2  }
0x7c: {  	s28 =	simm.s32 $0x200;
	s3 =	sor.u32 $0x400, s2  }
0x7d: {  	s30 =	sand.u32 $0x60, s25;
	s29 =	sand.u32 $0xC00, s25;
	[dreg:$0x4] =	wrdreg s3  }
0x7e: {  	s0 =	sand.u32 $0x180, s25;
	s31 =	sor.u32 $0x10, s30;
	s3 =	rddreg [dreg:$0x4]  }
0x7f: {  	v10 =	vld [tilespmem:s28+$0x0];
	s0 =	sor.u32 s31, s0;
	s3 =	sadd.s32 s29, s3  }
0x80: {  	v9 =	vld [tilespmem:s0+$0x200];
	s8 =	sadd.s32 s31, s3  }
0x81: {  	v11 =	vld [tilespmem:s8+$0x0]  }
0x82: {  	v12 =	vld [tilespmem:s8+$0x80]  }
0x83: {  	v13 =	vld [tilespmem:s8+$0x100]  }
0x84: {  	s2 =	sor.u32 $0x1400, s2;
	v14 =	vld [tilespmem:s8+$0x180]  }
0x85: {  	[dreg:$0x5] =	wrdreg s2;
	v15 =	vld [tilespmem:s8+$0x200]  }
0x86: {  	s2 =	rddreg [dreg:$0x5];
	v16 =	vld [tilespmem:s8+$0x280]  }
0x87: {  	s2 =	sadd.s32 s29, s2;
	v17 =	vld [tilespmem:s8+$0x300]  }
0x88: {  	s29 =	sadd.s32 s31, s2;
	v18 =	vld [tilespmem:s8+$0x380]  }
0x89: {  	v19 =	vld [tilespmem:s29+$0x0]  }
0x8a: {  	v20 =	vld [tilespmem:s29+$0x80]  }
0x8b: {  	v21 =	vld [tilespmem:s29+$0x100]  }
0x8c: {  	v22 =	vld [tilespmem:s29+$0x180]  }
0x8d: {  	v23 =	vld [tilespmem:s29+$0x200]  }
0x8e: {  	s13 =	sadd.s32 s30, s3;
	v24 =	vld [tilespmem:s29+$0x280]  }
0x8f: {  	v29 =	vld [tilespmem:s13+$0x0]  }
0x90: {  	s2 =	sadd.s32 s30, s2;
	v30 =	vld [tilespmem:s13+$0x80]  }
0x91: {  	v37 =	vld [tilespmem:s2+$0x80];
	v31 =	vmul.f32 v13, v9  }
0x92: {  	v13 =	vld [tilespmem:s13+$0x100];
	v35 =	vmul.f32 v15, v9;
	v36 =	vmul.f32 v16, v9  }
0x93: {  	v16 =	vld [tilespmem:s13+$0x180];
	v33 =	vmul.f32 v17, v9;
	v34 =	vmul.f32 v18, v9  }
0x94: {  	v18 =	vld [tilespmem:s13+$0x200];
	v27 =	vmul.f32 v19, v9;
	v28 =	vmul.f32 v20, v9  }
0x95: {  	v19 =	vld [tilespmem:s13+$0x280];
	v25 =	vmul.f32 v21, v9;
	v26 =	vmul.f32 v22, v9  }
0x96: {  	v20 =	vld [tilespmem:s13+$0x300];
	v17 =	vmul.f32 v23, v9;
	v22 =	vmul.f32 v30, v10  }
0x97: {  	v21 =	vmul.f32 v29, v10;
	v15 =	vimm.f32 $0.0e+00;
	v23 =	vmul.f32 v24, v9;
	v24 =	vld [tilespmem:s2+$0x0]  }
0x98: {  	v11 =	vmul.f32 v11, v9;
	v12 =	vmul.f32 v12, v9;
	v22 =	vadd.f32 v22, v15  }
0x99: {  	v14 =	vmul.f32 v14, v9;
	v29 =	vld [tilespmem:s13+$0x380];
	v43 =	vmul.f32 v37, v10;
	v21 =	vadd.f32 v21, v15  }
0x9a: {  	v12 =	vadd.f32 v12, v22;
	v13 =	vmul.f32 v13, v10;
	v16 =	vmul.f32 v16, v10  }
0x9b: {  	v22 =	vimm.f32 $0.0e+00;
	v18 =	vmul.f32 v18, v10;
	v19 =	vmul.f32 v19, v10  }
0x9c: {  	v20 =	vmul.f32 v20, v10;
	v41 =	vmul.f32 v24, v10;
	v30 =	vadd.f32 v13, v15  }
0x9d: {  	v42 =	vld [tilespmem:s2+$0x100];
	v24 =	vimm.f32 $0.0e+00;
	v16 =	vadd.f32 v16, v15;
	v13 =	vadd.f32 v11, v21  }
0x9e: {  	v40 =	vld [tilespmem:s2+$0x180];
	v21 =	vmul.f32 v29, v10;
	v29 =	vadd.f32 v18, v15;
	v11 =	vadd.f32 v31, v30  }
0x9f: {  	v38 =	vld [tilespmem:s2+$0x200];
	v18 =	vimm.f32 $0.0e+00;
	v14 =	vadd.f32 v14, v16;
	v30 =	vadd.f32 v19, v15  }
0xa0: {  	v39 =	vld [tilespmem:s2+$0x300];
	v31 =	vadd.f32 v20, v15;
	v32 =	vadd.f32 v21, v15;
	v21 =	vimm.f32 $0.0e+00  }
0xa1: {  	s30 =	simm.s32 $0x0;
	s31 =	simm.s32 $0x0;
	s3 =	simm.s32 $0x0;
	v37 =	vld [tilespmem:s2+$0x280];
	v16 =	vimm.f32 $0.0e+00;
	v20 =	vimm.f32 $0.0e+00;
	v19 =	vimm.f32 $0.0e+00  }
.LBB2_4:
0xa2: {  	v44 =	vld [tilespmem:s2+$0x380]  }
0xa3: {  	s0 =	rddreg [dreg:$0x4];
	s31 =	sadd.s32 $0x20, s31;
	v46 =	vld [tilespmem:s29+$0x300];
	s3 =	sadd.s32 $0x100, s3  }
0xa4: {  	s28 =	sadd.s32 $0x20, s28;
	v48 =	vld [tilespmem:s29+$0x380];
	s29 =	rddreg [dreg:$0x5];
	s2 =	sand.u32 $0x60, s31  }
0xa5: {  	s13 =	sand.u32 $0xC00, s3;
	s8 =	sand.u32 $0x180, s31;
	s7 =	sor.u32 $0x10, s2  }
0xa6: {  	v49 =	vld [tilespmem:s28+$0x0];
	s0 =	sadd.s32 s13, s0;
	s13 =	sadd.s32 s13, s29;
	s8 =	sor.u32 s7, s8  }
0xa7: {  	s29 =	sadd.s32 s7, s13;
	v51 =	vld [tilespmem:s8+$0x200]  }
0xa8: {  	v56 =	vld [tilespmem:s29+$0x0]  }
0xa9: {  	v57 =	vld [tilespmem:s29+$0x80]  }
0xaa: {  	v58 =	vld [tilespmem:s29+$0x100]  }
0xab: {  	v59 =	vld [tilespmem:s29+$0x180]  }
0xac: {  	v15 =	vadd.f32 v41, v15;
	v60 =	vld [tilespmem:s29+$0x200]  }
0xad: {  	v24 =	vadd.f32 v43, v24;
	s8 =	sadd.s32 s7, s0;
	v61 =	vld [tilespmem:s29+$0x280]  }
0xae: {  	v15 =	vadd.f32 v27, v15;
	v27 =	vld [tilespmem:s8+$0x0]  }
0xaf: {  	v24 =	vadd.f32 v28, v24;
	v28 =	vld [tilespmem:s8+$0x100]  }
0xb0: {  	v42 =	vmul.f32 v42, v10;
	v54 =	vld [tilespmem:s8+$0x180]  }
0xb1: {  	v45 =	vmul.f32 v40, v10;
	v47 =	vmul.f32 v38, v10;
	s0 =	sadd.s32 s2, s0;
	v55 =	vld [tilespmem:s8+$0x380]  }
0xb2: {  	v29 =	vadd.f32 v35, v29;
	v50 =	vmul.f32 v37, v10;
	v52 =	vmul.f32 v44, v10;
	v62 =	vld [tilespmem:s0+$0x0]  }
0xb3: {  	v39 =	vmul.f32 v39, v10;
	v21 =	vadd.f32 v42, v21;
	v22 =	vadd.f32 v45, v22;
	v10 =	vmovc v49;
	v49 =	vld [tilespmem:s0+$0x100]  }
0xb4: {  	v16 =	vadd.f32 v47, v16;
	v19 =	vadd.f32 v52, v19;
	v52 =	vld [tilespmem:s0+$0x280]  }
0xb5: {  	v53 =	vmul.f32 v48, v9;
	v20 =	vadd.f32 v50, v20;
	v21 =	vadd.f32 v25, v21;
	v25 =	vld [tilespmem:s8+$0x80]  }
0xb6: {  	v22 =	vadd.f32 v26, v22;
	v26 =	vmul.f32 v46, v9;
	v16 =	vadd.f32 v17, v16;
	v17 =	vld [tilespmem:s8+$0x200];
	v9 =	vmovc v51  }
0xb7: {  	v20 =	vadd.f32 v23, v20;
	v23 =	vld [tilespmem:s8+$0x280];
	v63 =	vmul.f32 v27, v9;
	v47 =	vmul.f32 v28, v9  }
0xb8: {  	v32 =	vadd.f32 v34, v32;
	v50 =	vld [tilespmem:s0+$0x180];
	v48 =	vmul.f32 v54, v9;
	v34 =	vmul.f32 v55, v9  }
0xb9: {  	v18 =	vadd.f32 v39, v18;
	v46 =	vld [tilespmem:s0+$0x80];
	v27 =	vmul.f32 v56, v9;
	v28 =	vmul.f32 v57, v9  }
0xba: {  	v30 =	vadd.f32 v36, v30;
	v51 =	vld [tilespmem:s0+$0x200];
	v54 =	vmul.f32 v62, v10;
	v57 =	vmul.f32 v49, v10  }
0xbb: {  	v18 =	vadd.f32 v26, v18;
	v26 =	vld [tilespmem:s8+$0x300];
	v37 =	vmul.f32 v52, v10;
	v45 =	vmul.f32 v25, v9  }
0xbc: {  	v19 =	vadd.f32 v53, v19;
	v53 =	vld [tilespmem:s0+$0x300];
	v35 =	vmul.f32 v17, v9;
	v36 =	vmul.f32 v23, v9  }
0xbd: {  	v31 =	vadd.f32 v33, v31;
	v25 =	vmul.f32 v58, v9;
	v17 =	vmul.f32 v60, v9  }
0xbe: {  	s2 =	sadd.s32 s2, s13;
	v56 =	vld [tilespmem:s0+$0x380];
	v13 =	vadd.f32 v54, v13;
	v23 =	vmul.f32 v61, v9;
	v55 =	vmul.f32 v46, v10  }
0xbf: {  	s30 =	sadd.s32 $0x2, s30;
	v58 =	vmul.f32 v50, v10;
	v61 =	vld [tilespmem:s2+$0x80];
	v11 =	vadd.f32 v57, v11;
	v60 =	vmul.f32 v51, v10  }
0xc0: {  	p1 =	slt.u32 s30, $0x1E;
	v13 =	vadd.f32 v63, v13;
	v33 =	vmul.f32 v26, v9;
	v26 =	vmul.f32 v59, v9;
	v59 =	vld [tilespmem:s2+$0x0]  }
.Ltmp2:
0xc1: {  	v40 =	vld [tilespmem:s2+$0x180];
	v62 =	vmul.f32 v53, v10;
	v30 =	vadd.f32 v37, v30;
	v12 =	vadd.f32 v55, v12;
	(pc) =	sbr.rel @p1 .LBB2_4-.Ltmp2, $4  }
0xc2: {  	v38 =	vld [tilespmem:s2+$0x200];
	v14 =	vadd.f32 v58, v14;
	v11 =	vadd.f32 v47, v11  }
0xc3: {  	v42 =	vld [tilespmem:s2+$0x100];
	v63 =	vmul.f32 v56, v10;
	v29 =	vadd.f32 v60, v29;
	v31 =	vadd.f32 v62, v31  }
0xc4: {  	v39 =	vld [tilespmem:s2+$0x300];
	v12 =	vadd.f32 v45, v12;
	v14 =	vadd.f32 v48, v14  }
0xc5: {  	v37 =	vld [tilespmem:s2+$0x280];
	v32 =	vadd.f32 v63, v32;
	v43 =	vmul.f32 v61, v10;
	v41 =	vmul.f32 v59, v10  }
0xc6: {  	v29 =	vadd.f32 v35, v29;
	v30 =	vadd.f32 v36, v30  }
0xc7: {  	v58 =	vmul.f32 v40, v10;
	v31 =	vadd.f32 v33, v31;
	v35 =	vperm.xlane v11, v4  }
0xc8: {  	v36 =	vperm.xlane v14, v4;
	v32 =	vadd.f32 v34, v32;
	v15 =	vadd.f32 v41, v15  }
0xc9: {  	v24 =	vadd.f32 v43, v24;
	v60 =	vmul.f32 v38, v10;
	v34 =	vperm.xlane v13, v4  }
0xca: {  	v44 =	vld [tilespmem:s2+$0x380];
	v42 =	vmul.f32 v42, v10;
	v22 =	vadd.f32 v58, v22;
	v38 =	vperm.xlane v30, v4  }
0xcb: {  	v59 =	vld [tilespmem:s29+$0x300];
	v11 =	vadd.f32 v35, v11;
	v14 =	vadd.f32 v36, v14;
	v40 =	vperm.xlane v31, v4  }
0xcc: {  	v61 =	vld [tilespmem:s29+$0x380];
	v63 =	vmul.f32 v39, v10;
	v15 =	vadd.f32 v27, v15;
	v24 =	vadd.f32 v28, v24  }
0xcd: {  	v16 =	vadd.f32 v60, v16;
	v13 =	vadd.f32 v34, v13;
	v41 =	vperm.xlane v32, v4  }
0xce: {  	v21 =	vadd.f32 v42, v21;
	v62 =	vmul.f32 v37, v10;
	v22 =	vadd.f32 v26, v22  }
0xcf: {  	v37 =	vperm.xlane v29, v4;
	v39 =	vadd.f32 v38, v30;
	v11 =	vsel vm0, v11, v14  }
0xd0: {  	v14 =	vadd.f32 v40, v31;
	v10 =	vmul.f32 v44, v10;
	v28 =	vmul.f32 v59, v9  }
0xd1: {  	v18 =	vadd.f32 v63, v18;
	v9 =	vmul.f32 v61, v9;
	v16 =	vadd.f32 v17, v16  }
0xd2: {  	v42 =	vperm.xlane v15, v4;
	v43 =	vperm.xlane v24, v4;
	v21 =	vadd.f32 v25, v21  }
0xd3: {  	v54 =	vperm.xlane v11, v5;
	v20 =	vadd.f32 v62, v20;
	v10 =	vadd.f32 v10, v19  }
0xd4: {  	v46 =	vperm.xlane v22, v4;
	v18 =	vadd.f32 v28, v18;
	v19 =	vadd.f32 v41, v32  }
0xd5: {  	v45 =	vadd.f32 v43, v24;
	v47 =	vperm.xlane v16, v4;
	v11 =	vadd.f32 v54, v11  }
0xd6: {  	v33 =	vadd.f32 v23, v20;
	v44 =	vperm.xlane v21, v4;
	v20 =	vadd.f32 v46, v22  }
0xd7: {  	v9 =	vadd.f32 v9, v10;
	v10 =	vperm.xlane v12, v4;
	v49 =	vperm.xlane v18, v4  }
0xd8: {  	v14 =	vsel vm0, v14, v19;
	v16 =	vadd.f32 v47, v16;
	v21 =	vadd.f32 v44, v21  }
0xd9: {  	v48 =	vperm.xlane v33, v4;
	v56 =	vperm.xlane v14, v5;
	v10 =	vadd.f32 v10, v12  }
0xda: {  	v12 =	vadd.f32 v37, v29;
	v50 =	vperm.xlane v9, v4;
	v51 =	vadd.f32 v49, v18  }
0xdb: {  	v17 =	vadd.f32 v48, v33;
	v52 =	vsel vm0, v21, v20;
	v14 =	vadd.f32 v56, v14  }
0xdc: {  	v10 =	vsel vm0, v13, v10;
	v12 =	vsel vm0, v12, v39;
	v13 =	vadd.f32 v42, v15  }
0xdd: {  	v9 =	vadd.f32 v50, v9;
	v58 =	vperm.xlane v52, v5;
	v53 =	vperm.xlane v10, v5  }
0xde: {  	v16 =	vsel vm0, v16, v17;
	v55 =	vperm.xlane v12, v5;
	v13 =	vsel vm0, v13, v45  }
0xdf: {  	v9 =	vsel vm0, v51, v9;
	v59 =	vperm.xlane v16, v5;
	v61 =	vadd.f32 v58, v52  }
0xe0: {  	v10 =	vadd.f32 v53, v10;
	v57 =	vperm.xlane v13, v5;
	v60 =	vperm.xlane v9, v5  }
0xe1: {  	v12 =	vadd.f32 v55, v12;
	v16 =	vadd.f32 v59, v16  }
0xe2: {  	v13 =	vadd.f32 v57, v13;
	v9 =	vadd.f32 v60, v9;
	v10 =	vsel vm1, v10, v11  }
0xe3: {  	v11 =	vsel vm1, v12, v14;
	v63 =	vperm.xlane v10, v6  }
0xe4: {  	v14 =	vperm.xlane v11, v6;
	v62 =	vsel vm1, v13, v61;
	v9 =	vsel vm1, v16, v9  }
0xe5: {  	v15 =	vperm.xlane v62, v6;
	v16 =	vperm.xlane v9, v6  }
0xe6: {  	v10 =	vadd.f32 v63, v10;
	v11 =	vadd.f32 v14, v11  }
0xe7: {  	v12 =	vadd.f32 v15, v62;
	v9 =	vadd.f32 v16, v9;
	_ =	sdelay $0x1  }
0xe8: {  	v10 =	vsel vm2, v10, v11;
	v9 =	vsel vm2, v12, v9  }
0xe9: {  	v11 =	vperm.xlane v10, v3;
	v12 =	vperm.xlane v9, v3  }
0xea: {  	s0 =	sshll.u32 s26, $0x4;
	s26 =	sadd.s32 $0x1, s26  }
0xeb: {  	p1 =	sne.s32 s26, $0x5;
	v10 =	vadd.f32 v11, v10;
	v9 =	vadd.f32 v12, v9  }
.Ltmp3:
0xec: {  	_ = 	snop;
	(pc) =	sbr.rel @p1 .LBB2_3-.Ltmp3, $4  }
0xed: {  	v9 =	vsel vm3, v10, v9  }
0xee: {  	vm4 =	vle.f32 v9, v8  }
0xef: {  	s0 =	sand.u32 $0x3FFFFFF0, s0;
	v9 =	vsel vm4, $0x3F800000, v7  }
0xf0: {  	[tilespmem:s0+$0x14400] =	vst v9  }
0xf1: {  	p1 =	seq.s32 s22, $0xA  }
0xf2: {  	s0 =	smul.u32 $0xA, s24;
	s2 =	sadd.s32 @!p1 s9, s23  }
0xf3: {  	s2 =	smin.u32 @!p1 s2, $0x2BB  }
0xf4: {  	s0 =	sadd.s32 s6, s0;
	s2 =	smul.u32 @!p1 $0x1400, s2  }
0xf5: {  	[hbm4b:s0+s4] =	stream.linear.scatter [tilespmem:s16], [sflag:$0x3], $0x50, $0x38;
	[tilespmem:$0x14500] =	vst v63  }
0xf6: {  	s3 =	simm.s32 @!p1 $0x400;
	s0 =	sadd.s32 @!p1 s1, s2;
	s2 =	simm.s32 @!p1 $0x0  }
0xf7: {  	[tilespmem:s3], [sflag:$0x1] =	stream.linear.gather @!p1 [hbm4b:s0+s2], $0xA000, $0x38;
	[tilespmem:$0x14500] =	vst v63  }
0xf8: {  	_ =	swait.ge [sflag:s17], $0xA000  }
0xf9: {  	[sflag:s17] =	ssyncset.done $0x0  }
0xfa: {  	s0 =	simm.s32 @!p0 $0x4;
	[sflag:s17] =	ssyncadd.s32 $0xFFFF6000  }
0xfb: {  	_ =	swait.ge @!p0 [sflag:s0], $0x50  }
0xfc: {  	s31 =	sor.u32 $0x20, s24;
	s25 =	simm.s32 $0x0;
	[sflag:s0] =	ssyncset.done @!p0 $0x0  }
0xfd: {  	s26 =	simm.s32 $0x0;
	s24 =	smin.u32 s31, $0x2BB;
	[sflag:s0] =	ssyncadd.s32 @!p0 $0xFFFFFFB0  }
.LBB2_7:
0xfe: {  	s0 =	sshll.u32 s26, $0xF  }
0xff: {  	s0 =	sshra.s32 s0, $0x2  }
0x100: {  	s28 =	simm.s32 $0x200;
	s2 =	sadd.s32 $0xA400, s0  }
0x101: {  	s3 =	sand.u32 $0x60, s25;
	s7 =	sand.u32 $0xC00, s25;
	[dreg:$0x6] =	wrdreg s2  }
0x102: {  	s13 =	sand.u32 $0x180, s25;
	s8 =	sor.u32 $0x10, s3;
	s2 =	rddreg [dreg:$0x6]  }
0x103: {  	v10 =	vld [tilespmem:s28+$0x0];
	s13 =	sor.u32 s8, s13;
	s2 =	sadd.s32 s7, s2  }
0x104: {  	v9 =	vld [tilespmem:s13+$0x200];
	s13 =	sadd.s32 s8, s2  }
0x105: {  	v11 =	vld [tilespmem:s13+$0x0]  }
0x106: {  	v12 =	vld [tilespmem:s13+$0x80]  }
0x107: {  	v13 =	vld [tilespmem:s13+$0x100]  }
0x108: {  	s0 =	sadd.s32 $0xB400, s0;
	v14 =	vld [tilespmem:s13+$0x180]  }
0x109: {  	[dreg:$0x7] =	wrdreg s0;
	v15 =	vld [tilespmem:s13+$0x200]  }
0x10a: {  	s0 =	rddreg [dreg:$0x7];
	v16 =	vld [tilespmem:s13+$0x280]  }
0x10b: {  	s0 =	sadd.s32 s7, s0;
	v17 =	vld [tilespmem:s13+$0x300]  }
0x10c: {  	s29 =	sadd.s32 s8, s0;
	v18 =	vld [tilespmem:s13+$0x380]  }
0x10d: {  	v19 =	vld [tilespmem:s29+$0x0]  }
0x10e: {  	v20 =	vld [tilespmem:s29+$0x80]  }
0x10f: {  	v21 =	vld [tilespmem:s29+$0x100]  }
0x110: {  	v22 =	vld [tilespmem:s29+$0x180]  }
0x111: {  	v23 =	vld [tilespmem:s29+$0x200]  }
0x112: {  	s2 =	sadd.s32 s3, s2;
	v24 =	vld [tilespmem:s29+$0x280]  }
0x113: {  	v29 =	vld [tilespmem:s2+$0x0]  }
0x114: {  	v30 =	vld [tilespmem:s2+$0x80]  }
0x115: {  	v31 =	vmul.f32 v13, v9;
	v13 =	vld [tilespmem:s2+$0x100]  }
0x116: {  	v36 =	vmul.f32 v16, v9;
	v16 =	vld [tilespmem:s2+$0x180]  }
0x117: {  	v33 =	vmul.f32 v17, v9;
	v34 =	vmul.f32 v18, v9;
	v18 =	vld [tilespmem:s2+$0x200]  }
0x118: {  	v27 =	vmul.f32 v19, v9;
	v28 =	vmul.f32 v20, v9;
	v19 =	vld [tilespmem:s2+$0x280]  }
0x119: {  	v25 =	vmul.f32 v21, v9;
	v26 =	vmul.f32 v22, v9;
	v20 =	vld [tilespmem:s2+$0x300]  }
0x11a: {  	v17 =	vmul.f32 v23, v9;
	v21 =	vmul.f32 v29, v10;
	v29 =	vld [tilespmem:s2+$0x380];
	s2 =	sadd.s32 s3, s0  }
0x11b: {  	v22 =	vmul.f32 v30, v10;
	v23 =	vmul.f32 v24, v9;
	v24 =	vld [tilespmem:s2+$0x0]  }
0x11c: {  	v35 =	vmul.f32 v15, v9;
	v15 =	vimm.f32 $0.0e+00;
	v37 =	vld [tilespmem:s2+$0x80]  }
0x11d: {  	v11 =	vmul.f32 v11, v9;
	v12 =	vmul.f32 v12, v9;
	v22 =	vadd.f32 v22, v15  }
0x11e: {  	v14 =	vmul.f32 v14, v9;
	v21 =	vadd.f32 v21, v15;
	v13 =	vmul.f32 v13, v10  }
0x11f: {  	v12 =	vadd.f32 v12, v22;
	v16 =	vmul.f32 v16, v10;
	v18 =	vmul.f32 v18, v10  }
0x120: {  	v22 =	vimm.f32 $0.0e+00;
	v19 =	vmul.f32 v19, v10;
	v20 =	vmul.f32 v20, v10  }
0x121: {  	v41 =	vmul.f32 v24, v10;
	v43 =	vmul.f32 v37, v10;
	v30 =	vadd.f32 v13, v15  }
0x122: {  	v42 =	vld [tilespmem:s2+$0x100];
	v24 =	vimm.f32 $0.0e+00;
	v16 =	vadd.f32 v16, v15;
	v13 =	vadd.f32 v11, v21  }
0x123: {  	v40 =	vld [tilespmem:s2+$0x180];
	v21 =	vmul.f32 v29, v10;
	v29 =	vadd.f32 v18, v15;
	v11 =	vadd.f32 v31, v30  }
0x124: {  	v38 =	vld [tilespmem:s2+$0x200];
	v18 =	vimm.f32 $0.0e+00;
	v14 =	vadd.f32 v14, v16;
	v30 =	vadd.f32 v19, v15  }
0x125: {  	v39 =	vld [tilespmem:s2+$0x300];
	v31 =	vadd.f32 v20, v15;
	v32 =	vadd.f32 v21, v15;
	v21 =	vimm.f32 $0.0e+00  }
0x126: {  	s30 =	simm.s32 $0x0;
	s31 =	simm.s32 $0x0;
	s3 =	simm.s32 $0x0;
	v37 =	vld [tilespmem:s2+$0x280];
	v16 =	vimm.f32 $0.0e+00;
	v20 =	vimm.f32 $0.0e+00;
	v19 =	vimm.f32 $0.0e+00  }
.LBB2_8:
0x127: {  	v44 =	vld [tilespmem:s2+$0x380]  }
0x128: {  	s0 =	rddreg [dreg:$0x6];
	s31 =	sadd.s32 $0x20, s31;
	v46 =	vld [tilespmem:s29+$0x300];
	s3 =	sadd.s32 $0x100, s3  }
0x129: {  	s28 =	sadd.s32 $0x20, s28;
	v48 =	vld [tilespmem:s29+$0x380];
	s29 =	rddreg [dreg:$0x7];
	s2 =	sand.u32 $0x60, s31  }
0x12a: {  	s7 =	sand.u32 $0xC00, s3;
	s13 =	sand.u32 $0x180, s31;
	s8 =	sor.u32 $0x10, s2  }
0x12b: {  	v49 =	vld [tilespmem:s28+$0x0];
	s0 =	sadd.s32 s7, s0;
	s7 =	sadd.s32 s7, s29;
	s13 =	sor.u32 s8, s13  }
0x12c: {  	s29 =	sadd.s32 s8, s7;
	v51 =	vld [tilespmem:s13+$0x200]  }
0x12d: {  	v56 =	vld [tilespmem:s29+$0x0]  }
0x12e: {  	v57 =	vld [tilespmem:s29+$0x80]  }
0x12f: {  	v58 =	vld [tilespmem:s29+$0x100]  }
0x130: {  	v59 =	vld [tilespmem:s29+$0x180]  }
0x131: {  	v15 =	vadd.f32 v41, v15;
	v60 =	vld [tilespmem:s29+$0x200]  }
0x132: {  	v24 =	vadd.f32 v43, v24;
	s13 =	sadd.s32 s8, s0;
	v61 =	vld [tilespmem:s29+$0x280]  }
0x133: {  	v15 =	vadd.f32 v27, v15;
	v27 =	vld [tilespmem:s13+$0x0]  }
0x134: {  	v24 =	vadd.f32 v28, v24;
	v28 =	vld [tilespmem:s13+$0x100]  }
0x135: {  	v42 =	vmul.f32 v42, v10;
	v54 =	vld [tilespmem:s13+$0x180]  }
0x136: {  	v45 =	vmul.f32 v40, v10;
	v47 =	vmul.f32 v38, v10;
	s0 =	sadd.s32 s2, s0;
	v55 =	vld [tilespmem:s13+$0x380]  }
0x137: {  	v29 =	vadd.f32 v35, v29;
	v50 =	vmul.f32 v37, v10;
	v52 =	vmul.f32 v44, v10;
	v62 =	vld [tilespmem:s0+$0x0]  }
0x138: {  	v39 =	vmul.f32 v39, v10;
	v21 =	vadd.f32 v42, v21;
	v22 =	vadd.f32 v45, v22;
	v10 =	vmovc v49;
	v49 =	vld [tilespmem:s0+$0x100]  }
0x139: {  	v16 =	vadd.f32 v47, v16;
	v19 =	vadd.f32 v52, v19;
	v52 =	vld [tilespmem:s0+$0x280]  }
0x13a: {  	v53 =	vmul.f32 v48, v9;
	v20 =	vadd.f32 v50, v20;
	v21 =	vadd.f32 v25, v21;
	v25 =	vld [tilespmem:s13+$0x80]  }
0x13b: {  	v22 =	vadd.f32 v26, v22;
	v26 =	vmul.f32 v46, v9;
	v16 =	vadd.f32 v17, v16;
	v17 =	vld [tilespmem:s13+$0x200];
	v9 =	vmovc v51  }
0x13c: {  	v20 =	vadd.f32 v23, v20;
	v23 =	vld [tilespmem:s13+$0x280];
	v63 =	vmul.f32 v27, v9;
	v47 =	vmul.f32 v28, v9  }
0x13d: {  	v32 =	vadd.f32 v34, v32;
	v50 =	vld [tilespmem:s0+$0x180];
	v48 =	vmul.f32 v54, v9;
	v34 =	vmul.f32 v55, v9  }
0x13e: {  	v18 =	vadd.f32 v39, v18;
	v46 =	vld [tilespmem:s0+$0x80];
	v27 =	vmul.f32 v56, v9;
	v28 =	vmul.f32 v57, v9  }
0x13f: {  	v30 =	vadd.f32 v36, v30;
	v51 =	vld [tilespmem:s0+$0x200];
	v54 =	vmul.f32 v62, v10;
	v57 =	vmul.f32 v49, v10  }
0x140: {  	v18 =	vadd.f32 v26, v18;
	v26 =	vld [tilespmem:s13+$0x300];
	v37 =	vmul.f32 v52, v10;
	v45 =	vmul.f32 v25, v9  }
0x141: {  	v19 =	vadd.f32 v53, v19;
	v53 =	vld [tilespmem:s0+$0x300];
	v35 =	vmul.f32 v17, v9;
	v36 =	vmul.f32 v23, v9  }
0x142: {  	v31 =	vadd.f32 v33, v31;
	v25 =	vmul.f32 v58, v9;
	v17 =	vmul.f32 v60, v9  }
0x143: {  	s2 =	sadd.s32 s2, s7;
	v56 =	vld [tilespmem:s0+$0x380];
	v13 =	vadd.f32 v54, v13;
	v23 =	vmul.f32 v61, v9;
	v55 =	vmul.f32 v46, v10  }
0x144: {  	s30 =	sadd.s32 $0x2, s30;
	v58 =	vmul.f32 v50, v10;
	v61 =	vld [tilespmem:s2+$0x80];
	v11 =	vadd.f32 v57, v11;
	v60 =	vmul.f32 v51, v10  }
0x145: {  	p0 =	slt.u32 s30, $0x1E;
	v13 =	vadd.f32 v63, v13;
	v33 =	vmul.f32 v26, v9;
	v26 =	vmul.f32 v59, v9;
	v59 =	vld [tilespmem:s2+$0x0]  }
.Ltmp4:
0x146: {  	v40 =	vld [tilespmem:s2+$0x180];
	v62 =	vmul.f32 v53, v10;
	v30 =	vadd.f32 v37, v30;
	v12 =	vadd.f32 v55, v12;
	(pc) =	sbr.rel @p0 .LBB2_8-.Ltmp4, $4  }
0x147: {  	v38 =	vld [tilespmem:s2+$0x200];
	v14 =	vadd.f32 v58, v14;
	v11 =	vadd.f32 v47, v11  }
0x148: {  	v42 =	vld [tilespmem:s2+$0x100];
	v63 =	vmul.f32 v56, v10;
	v29 =	vadd.f32 v60, v29;
	v31 =	vadd.f32 v62, v31  }
0x149: {  	v39 =	vld [tilespmem:s2+$0x300];
	v12 =	vadd.f32 v45, v12;
	v14 =	vadd.f32 v48, v14  }
0x14a: {  	v37 =	vld [tilespmem:s2+$0x280];
	v32 =	vadd.f32 v63, v32;
	v43 =	vmul.f32 v61, v10;
	v41 =	vmul.f32 v59, v10  }
0x14b: {  	v29 =	vadd.f32 v35, v29;
	v30 =	vadd.f32 v36, v30  }
0x14c: {  	v58 =	vmul.f32 v40, v10;
	v31 =	vadd.f32 v33, v31;
	v35 =	vperm.xlane v11, v4  }
0x14d: {  	v36 =	vperm.xlane v14, v4;
	v32 =	vadd.f32 v34, v32;
	v15 =	vadd.f32 v41, v15  }
0x14e: {  	v24 =	vadd.f32 v43, v24;
	v60 =	vmul.f32 v38, v10;
	v34 =	vperm.xlane v13, v4  }
0x14f: {  	v44 =	vld [tilespmem:s2+$0x380];
	v42 =	vmul.f32 v42, v10;
	v22 =	vadd.f32 v58, v22;
	v38 =	vperm.xlane v30, v4  }
0x150: {  	v59 =	vld [tilespmem:s29+$0x300];
	v11 =	vadd.f32 v35, v11;
	v14 =	vadd.f32 v36, v14;
	v40 =	vperm.xlane v31, v4  }
0x151: {  	v61 =	vld [tilespmem:s29+$0x380];
	v63 =	vmul.f32 v39, v10;
	v15 =	vadd.f32 v27, v15;
	v24 =	vadd.f32 v28, v24  }
0x152: {  	v16 =	vadd.f32 v60, v16;
	v13 =	vadd.f32 v34, v13;
	v41 =	vperm.xlane v32, v4  }
0x153: {  	v21 =	vadd.f32 v42, v21;
	v62 =	vmul.f32 v37, v10;
	v22 =	vadd.f32 v26, v22  }
0x154: {  	v37 =	vperm.xlane v29, v4;
	v39 =	vadd.f32 v38, v30;
	v11 =	vsel vm0, v11, v14  }
0x155: {  	v14 =	vadd.f32 v40, v31;
	v10 =	vmul.f32 v44, v10;
	v28 =	vmul.f32 v59, v9  }
0x156: {  	v18 =	vadd.f32 v63, v18;
	v9 =	vmul.f32 v61, v9;
	v16 =	vadd.f32 v17, v16  }
0x157: {  	v42 =	vperm.xlane v15, v4;
	v43 =	vperm.xlane v24, v4;
	v21 =	vadd.f32 v25, v21  }
0x158: {  	v54 =	vperm.xlane v11, v5;
	v20 =	vadd.f32 v62, v20;
	v10 =	vadd.f32 v10, v19  }
0x159: {  	v46 =	vperm.xlane v22, v4;
	v18 =	vadd.f32 v28, v18;
	v19 =	vadd.f32 v41, v32  }
0x15a: {  	v45 =	vadd.f32 v43, v24;
	v47 =	vperm.xlane v16, v4;
	v11 =	vadd.f32 v54, v11  }
0x15b: {  	v33 =	vadd.f32 v23, v20;
	v44 =	vperm.xlane v21, v4;
	v20 =	vadd.f32 v46, v22  }
0x15c: {  	v9 =	vadd.f32 v9, v10;
	v10 =	vperm.xlane v12, v4;
	v49 =	vperm.xlane v18, v4  }
0x15d: {  	v14 =	vsel vm0, v14, v19;
	v16 =	vadd.f32 v47, v16;
	v21 =	vadd.f32 v44, v21  }
0x15e: {  	v48 =	vperm.xlane v33, v4;
	v56 =	vperm.xlane v14, v5;
	v10 =	vadd.f32 v10, v12  }
0x15f: {  	v12 =	vadd.f32 v37, v29;
	v50 =	vperm.xlane v9, v4;
	v51 =	vadd.f32 v49, v18  }
0x160: {  	v17 =	vadd.f32 v48, v33;
	v52 =	vsel vm0, v21, v20;
	v14 =	vadd.f32 v56, v14  }
0x161: {  	v10 =	vsel vm0, v13, v10;
	v12 =	vsel vm0, v12, v39;
	v13 =	vadd.f32 v42, v15  }
0x162: {  	v9 =	vadd.f32 v50, v9;
	v58 =	vperm.xlane v52, v5;
	v53 =	vperm.xlane v10, v5  }
0x163: {  	v16 =	vsel vm0, v16, v17;
	v55 =	vperm.xlane v12, v5;
	v13 =	vsel vm0, v13, v45  }
0x164: {  	v9 =	vsel vm0, v51, v9;
	v59 =	vperm.xlane v16, v5;
	v61 =	vadd.f32 v58, v52  }
0x165: {  	v10 =	vadd.f32 v53, v10;
	v57 =	vperm.xlane v13, v5;
	v60 =	vperm.xlane v9, v5  }
0x166: {  	v12 =	vadd.f32 v55, v12;
	v16 =	vadd.f32 v59, v16  }
0x167: {  	v13 =	vadd.f32 v57, v13;
	v9 =	vadd.f32 v60, v9;
	v10 =	vsel vm1, v10, v11  }
0x168: {  	v11 =	vsel vm1, v12, v14;
	v63 =	vperm.xlane v10, v6  }
0x169: {  	v14 =	vperm.xlane v11, v6;
	v62 =	vsel vm1, v13, v61;
	v9 =	vsel vm1, v16, v9  }
0x16a: {  	v15 =	vperm.xlane v62, v6;
	v16 =	vperm.xlane v9, v6  }
0x16b: {  	v10 =	vadd.f32 v63, v10;
	v11 =	vadd.f32 v14, v11  }
0x16c: {  	v12 =	vadd.f32 v15, v62;
	v9 =	vadd.f32 v16, v9;
	_ =	sdelay $0x1  }
0x16d: {  	v10 =	vsel vm2, v10, v11;
	v9 =	vsel vm2, v12, v9  }
0x16e: {  	v11 =	vperm.xlane v10, v3;
	v12 =	vperm.xlane v9, v3  }
0x16f: {  	s0 =	sshll.u32 s26, $0x4;
	s26 =	sadd.s32 $0x1, s26  }
0x170: {  	p0 =	sne.s32 s26, $0x5;
	v10 =	vadd.f32 v11, v10;
	v9 =	vadd.f32 v12, v9  }
.Ltmp5:
0x171: {  	_ = 	snop;
	(pc) =	sbr.rel @p0 .LBB2_7-.Ltmp5, $4  }
0x172: {  	v9 =	vsel vm3, v10, v9  }
0x173: {  	vm4 =	vle.f32 v9, v8  }
0x174: {  	s0 =	sand.u32 $0x3FFFFFF0, s0;
	v9 =	vsel vm4, $0x3F800000, v7  }
0x175: {  	[tilespmem:s0+$0x14480] =	vst v9  }
.Ltmp6:
0x176: {  	(pc) =	sbr.rel @p1 .LBB2_12-.Ltmp6, $3  }
0x177: {  	s0 =	smul.u32 $0xA, s24;
	_ =	sdelay $0x1  }
0x178: {  	s0 =	sadd.s32 s6, s0  }
0x179: {  	[hbm4b:s0+s4] =	stream.linear.scatter [tilespmem:s18], [sflag:$0x4], $0x50, $0x38;
	[tilespmem:$0x14500] =	vst v63  }
0x17a: {  	s0 =	sadd.s32 s10, s23  }
.Ltmp7:
0x17b: {  	s0 =	smin.u32 s0, $0x2BB;
	(pc) =	sbr.rel .LBB2_2-.Ltmp7, $3  }
0x17c: {  	s0 =	smul.u32 $0x1400, s0;
	_ =	sdelay $0x1  }
0x17d: {  	s22 =	sadd.s32 $0x1, s22;
	s0 =	sadd.s32 s1, s0  }
0x17e: {  	[tilespmem:s14], [sflag:$0x2] =	stream.linear.gather [hbm4b:s0+s4], $0xA000, $0x38;
	[tilespmem:$0x14500] =	vst v63  }
.LBB2_13:
0x17f: {  	_ =	sfence.sel $0x180000  }
0x180: {  	[bflag:$0x0] =	sbarrier.arrive $0xFFFF  }
0x181: {  	_ =	strace $0x90000047  }
0x182: {  	s0 =	stileid.u32;
	[bflag:$0x2] =	sbarrier.arrive $0xFFFF  }
0x183: {  	p0 =	sne.s32 s0, $0x0;
	s0 =	rddreg [dreg:$0x3]  }
0x184: {  	s0 =	sadd.s32 @!p0 $0x100000, s0  }
0x185: {  	[sflag:s0] =	ssyncadd.tile.s32 @!p0 $0x1;
	_ =	shalt  }
.Lfunc_end2:
_tile_overlayer_lowered:
.L_overlay_start_2:
0x186: {  	(tag) =	ssettag $0x2  }
0x187: {  	s0 =	rddreg [dreg:$0x0];
	s2 =	stileid.u32  }
0x188: {  	s1 =	rddreg [dreg:$0x1];
	p0 =	sne.s32 s2, $0x0  }
0x189: {  	s3 =	rddreg [dreg:$0x2];
	[bflag:$0x3] =	sbarrier.arrive $0xFFFF;
	s2 =	simm.s32 @!p0 $0x1C05  }
0x18a: {  	[timem:s3], [sflag:s2] =	dma.local @!p0 [hbm:s0], s1  }
0x18b: {  	s0 =	simm.s32 @!p0 $0x5  }
0x18c: {  	_ =	swait.ge @!p0 [sflag:s0], s1  }
0x18d: {  	s1 =	ssub.s32 @!p0 $0x0, s1;
	[sflag:s0] =	ssyncset.done @!p0 $0x0  }
0x18e: {  	[sflag:s0] =	ssyncadd.s32 @!p0 s1  }
0x18f: {  	[bflag:$0x3] =	sbarrier.arrive $0xFFFF  }
0x190: {  	_ =	shalt  }

</sc_bundles>
